<compile_context>
chip_gen: v7x
topology: tpu7x:2x2x1
jax: 0.10.2.dev20260603
libtpu: 0.0.44.dev20260713+nightly
codegen_flags: <defaults>
</compile_context>

<pallas_src>
import functools

import jax
import jax.numpy as jnp
from jax import lax
from jax.experimental import pallas as pl
from jax.experimental.pallas import tpu as pltpu
from jax.experimental.pallas import tpu_sc as plsc

_NC = 2
_NS = 16
_NW = _NC * _NS
_CH = 128


_NBUF = 4


def _make_deg(e_pad, n_pad):
  e_per_w = e_pad // _NW
  n_chunks = e_per_w // _CH
  n_groups = n_chunks // _NBUF
  rpt = n_pad // _NS
  mesh = plsc.VectorSubcoreMesh(core_axis_name="c", subcore_axis_name="s")

  @functools.partial(
      pl.kernel,
      mesh=mesh,
      out_type=pltpu.HBM((_NC, n_pad), jnp.float32),
      scratch_types=[
          pltpu.VMEM((n_chunks, _CH), jnp.int32),
          pltpu.VMEM((_CH,), jnp.float32),
          pltpu.VMEM_SHARED((n_pad,), jnp.float32),
      ] + [pltpu.SemaphoreType.DMA] * _NBUF,
  )
  def deg_kernel(dst2d_hbm, ones_hbm, zeros_hbm, out_hbm, idx_v, ones_v,
                 acc_sh, *ssems):
    c = lax.axis_index("c")
    s = lax.axis_index("s")
    wid = c * _NS + s
    pltpu.sync_copy(zeros_hbm.at[pl.ds(s * rpt, rpt)],
                    acc_sh.at[pl.ds(s * rpt, rpt)])
    pltpu.sync_copy(ones_hbm, ones_v)
    pltpu.sync_copy(dst2d_hbm.at[pl.ds(wid * n_chunks, n_chunks)], idx_v)
    plsc.subcore_barrier()

    def group(g, carry):
      for b in range(_NBUF):
        j = g * _NBUF + b

        @pl.when(g > 0)
        def _():
          pltpu.make_async_copy(ones_v, acc_sh.at[idx_v.at[j - _NBUF]],
                                ssems[b]).wait()

        pltpu.async_copy(ones_v, acc_sh.at[idx_v.at[j]], ssems[b],
                         add=True)
      return carry

    lax.fori_loop(0, n_groups, group, 0)
    for b in range(_NBUF):
      j = (n_groups - 1) * _NBUF + b
      pltpu.make_async_copy(ones_v, acc_sh.at[idx_v.at[j]], ssems[b]).wait()
    plsc.subcore_barrier()
    pltpu.sync_copy(acc_sh.at[pl.ds(s * rpt, rpt)],
                    out_hbm.at[c, pl.ds(s * rpt, rpt)])

  return deg_kernel


def _make_agg(e_pad, n_pad, d):
  e_per_w = e_pad // _NW
  n_chunks = e_per_w // _CH
  rpt = n_pad // _NS
  mesh = plsc.VectorSubcoreMesh(core_axis_name="c", subcore_axis_name="s")

  @functools.partial(
      pl.kernel,
      mesh=mesh,
      out_type=pltpu.HBM((_NC, n_pad, d), jnp.float32),
      scratch_types=[
          pltpu.VMEM((_CH,), jnp.int32),
          pltpu.VMEM((_CH,), jnp.int32),
          pltpu.VMEM((_CH, d), jnp.float32),
          pltpu.VMEM_SHARED((n_pad, d), jnp.float32),
          pltpu.SemaphoreType.DMA,
      ],
  )
  def agg_kernel(src2d_hbm, dst2d_hbm, p_hbm, zeros_hbm, out_hbm,
                 sidx_v, didx_v, rows_v, acc_sh, sem):
    c = lax.axis_index("c")
    s = lax.axis_index("s")
    pltpu.sync_copy(zeros_hbm.at[pl.ds(s * rpt, rpt)],
                    acc_sh.at[pl.ds(s * rpt, rpt)])
    plsc.subcore_barrier()
    wid = c * _NS + s

    def step(i, carry):
      row = wid * n_chunks + i
      pltpu.sync_copy(src2d_hbm.at[row], sidx_v)
      pltpu.sync_copy(dst2d_hbm.at[row], didx_v)
      pltpu.async_copy(p_hbm.at[sidx_v], rows_v, sem).wait()
      pltpu.sync_copy(rows_v, acc_sh.at[didx_v], add=True)
      return carry

    lax.fori_loop(0, n_chunks, step, 0)
    plsc.subcore_barrier()
    pltpu.sync_copy(acc_sh.at[pl.ds(s * rpt, rpt)],
                    out_hbm.at[c, pl.ds(s * rpt, rpt)])

  return agg_kernel


def kernel(x, edge_index, W_lin, b_lin, W1, b1, W2, b2):
  n, f_in = x.shape
  h1 = W_lin.shape[1]
  h2 = W1.shape[1]
  cdim = W2.shape[1]
  e = edge_index.shape[1]

  n_pad = ((n + 256) // 256) * 256
  group = _NW * _CH * _NBUF
  e_pad = ((e + group - 1) // group) * group
  pad = e_pad - e

  src = edge_index[0].astype(jnp.int32)
  dst = edge_index[1].astype(jnp.int32)
  if pad:
    src = jnp.concatenate([src, jnp.zeros((pad,), jnp.int32)])
    dst = jnp.concatenate(
        [dst, n + (jnp.arange(pad, dtype=jnp.int32) % (n_pad - n))])
  src = src.reshape(e_pad // _CH, _CH)
  dst = dst.reshape(e_pad // _CH, _CH)

  dpad = 128
  W1p = jnp.pad(W1, ((0, 0), (0, dpad - h2)))
  b1p = jnp.pad(b1, (0, dpad - h2))
  W2p = jnp.pad(W2, ((0, dpad - h2), (0, dpad - cdim)))

  ones_ch = jnp.ones((_CH,), jnp.float32)
  zeros_n = jnp.zeros((n_pad,), jnp.float32)
  zeros_nd = jnp.zeros((n_pad, dpad), jnp.float32)

  deg_parts = _make_deg(e_pad, n_pad)(dst, ones_ch, zeros_n)
  deg0 = deg_parts[0].reshape(n_pad, 1)
  deg1 = deg_parts[1].reshape(n_pad, 1)

  br = 400
  grid = n // br

  def tc1_body(x_ref, wl_ref, bl_ref, w1_ref, d0_ref, d1_ref, p1s_ref,
               dinv_ref):
    h = jnp.dot(x_ref[...], wl_ref[...], preferred_element_type=jnp.float32)
    h = jnp.maximum(h + bl_ref[...][None, :], 0.0)
    p = jnp.dot(h, w1_ref[...], preferred_element_type=jnp.float32)
    deg = d0_ref[...] + d1_ref[...] + 1.0
    dinv = lax.rsqrt(deg)
    p1s_ref[...] = p * dinv
    dinv_ref[...] = dinv

  p1s, dinv = pl.pallas_call(
      tc1_body,
      grid=(grid,),
      in_specs=[
          pl.BlockSpec((br, f_in), lambda i: (i, 0)),
          pl.BlockSpec((f_in, h1), lambda i: (0, 0)),
          pl.BlockSpec((h1,), lambda i: (0,)),
          pl.BlockSpec((h1, dpad), lambda i: (0, 0)),
          pl.BlockSpec((br, 1), lambda i: (i, 0)),
          pl.BlockSpec((br, 1), lambda i: (i, 0)),
      ],
      out_specs=[
          pl.BlockSpec((br, dpad), lambda i: (i, 0)),
          pl.BlockSpec((br, 1), lambda i: (i, 0)),
      ],
      out_shape=[
          jax.ShapeDtypeStruct((n, dpad), jnp.float32),
          jax.ShapeDtypeStruct((n, 1), jnp.float32),
      ],
  )(x, W_lin, b_lin, W1p, deg0, deg1)

  acc1 = _make_agg(e_pad, n_pad, dpad)(src, dst, p1s, zeros_nd)

  def tc2_body(a_ref, p1s_ref, dinv_ref, b1_ref, w2_ref, p2s_ref):
    a = a_ref[...]
    dinv = dinv_ref[...]
    hagg = (a[0] + a[1] + p1s_ref[...]) * dinv + b1_ref[...][None, :]
    hagg = jnp.maximum(hagg, 0.0)
    p2s_ref[...] = jnp.dot(
        hagg, w2_ref[...], preferred_element_type=jnp.float32) * dinv

  p2s = pl.pallas_call(
      tc2_body,
      grid=(grid,),
      in_specs=[
          pl.BlockSpec((_NC, br, dpad), lambda i: (0, i, 0)),
          pl.BlockSpec((br, dpad), lambda i: (i, 0)),
          pl.BlockSpec((br, 1), lambda i: (i, 0)),
          pl.BlockSpec((dpad,), lambda i: (0,)),
          pl.BlockSpec((dpad, dpad), lambda i: (0, 0)),
      ],
      out_specs=pl.BlockSpec((br, dpad), lambda i: (i, 0)),
      out_shape=jax.ShapeDtypeStruct((n, dpad), jnp.float32),
  )(acc1, p1s, dinv, b1p, W2p)

  acc2 = _make_agg(e_pad, n_pad, dpad)(src, dst, p2s, zeros_nd)

  def tc3_body(a_ref, p2s_ref, dinv_ref, b2_ref, out_ref):
    a = a_ref[...]
    agg = (a[0] + a[1] + p2s_ref[...])[:, :cdim]
    o = agg * dinv_ref[...] + b2_ref[...][None, :]
    m = jnp.max(o, axis=1, keepdims=True)
    ex = jnp.exp(o - m)
    lse = jnp.log(jnp.sum(ex, axis=1, keepdims=True))
    out_ref[...] = o - m - lse

  out = pl.pallas_call(
      tc3_body,
      grid=(grid,),
      in_specs=[
          pl.BlockSpec((_NC, br, dpad), lambda i: (0, i, 0)),
          pl.BlockSpec((br, dpad), lambda i: (i, 0)),
          pl.BlockSpec((br, 1), lambda i: (i, 0)),
          pl.BlockSpec((cdim,), lambda i: (0,)),
      ],
      out_specs=pl.BlockSpec((br, cdim), lambda i: (i, 0)),
      out_shape=jax.ShapeDtypeStruct((n, cdim), jnp.float32),
  )(acc2, p2s, dinv, b2)

  return out

# --- scband reference (transcript-rebuilt; emitter-appended) ---
"""Pipeline reference for scband-net-4913442587175 (READ-ONLY COPY).

The authoritative reference and input builder live on the scoring server;
editing this copy changes nothing except your own understanding.
"""

import jax, jax.numpy as jnp
import numpy as np

N = 10000
E = 320000
F_IN = 128
H1 = 300
H2 = 100
C = 16


def gcn_conv(x, edge_index, W, b):
    n = x.shape[0]
    src = edge_index[0]
    dst = edge_index[1]
    loop = jnp.arange(n, dtype=edge_index.dtype)
    src = jnp.concatenate([src, loop])
    dst = jnp.concatenate([dst, loop])
    deg = jax.ops.segment_sum(jnp.ones(src.shape[0], dtype=x.dtype), dst, num_segments=n)
    dinv = jnp.where(deg > 0, deg ** -0.5, 0.0)
    norm = dinv[src] * dinv[dst]
    h = x @ W
    msg = h[src] * norm[:, None]
    out = jax.ops.segment_sum(msg, dst, num_segments=n)
    return out + b


def setup_inputs(seed: int = 0) -> dict:
    key = jax.random.key(seed)
    ks = jax.random.split(key, 8)
    x = jax.random.normal(ks[0], (N, F_IN), dtype=jnp.float32)
    edge_index = jax.random.randint(ks[1], (2, E), 0, N, dtype=jnp.int64)
    W_lin = jax.random.normal(ks[2], (F_IN, H1), dtype=jnp.float32) * (1.0 / np.sqrt(F_IN))
    b_lin = jnp.zeros((H1,), dtype=jnp.float32)
    W1 = jax.random.normal(ks[3], (H1, H2), dtype=jnp.float32) * (1.0 / np.sqrt(H1))
    b1 = jnp.zeros((H2,), dtype=jnp.float32)
    W2 = jax.random.normal(ks[4], (H2, C), dtype=jnp.float32) * (1.0 / np.sqrt(H2))
    b2 = jnp.zeros((C,), dtype=jnp.float32)
    return {"x": x, "edge_index": edge_index, "W_lin": W_lin, "b_lin": b_lin, "W1": W1, "b1": b1, "W2": W2, "b2": b2}


def reference(x, edge_index, W_lin, b_lin, W1, b1, W2, b2):
    h = jax.nn.relu(x @ W_lin + b_lin)
    h = jax.nn.relu(gcn_conv(h, edge_index, W1, b1))
    # dropout is identity in eval mode (training=False)
    h = gcn_conv(h, edge_index, W2, b2)
    return jax.nn.log_softmax(h, axis=1)

if __name__ == "__main__":
    import jax
    _d = setup_inputs()
    print(jax.jit(kernel)(*tuple(_d.values())))

</pallas_src>

<mosaic_0001>
#map = affine_map<(d0, d1) -> (0, 0)>
#map1 = affine_map<(d0, d1) -> (0)>
module attributes {stable_mosaic.version = 14 : i64} {
  func.func @deg_kernel(%arg0: i32, %arg1: i32, %arg2: memref<2560x128xi32, #tpu.memory_space<hbm>>, %arg3: memref<128xf32, #tpu.memory_space<hbm>>, %arg4: memref<10240xf32, #tpu.memory_space<hbm>>, %arg5: memref<2x10240xf32, #tpu.memory_space<hbm>>, %arg6: memref<80x128xi32, #tpu.memory_space<vmem>>, %arg7: memref<128xf32, #tpu.memory_space<vmem>>, %arg8: memref<10240xf32, #tpu.memory_space<vmem_shared>>, %arg9: memref<!tpu.dma_semaphore, #tpu.memory_space<semaphore_mem>>, %arg10: memref<!tpu.dma_semaphore, #tpu.memory_space<semaphore_mem>>, %arg11: memref<!tpu.dma_semaphore, #tpu.memory_space<semaphore_mem>>, %arg12: memref<!tpu.dma_semaphore, #tpu.memory_space<semaphore_mem>>) attributes {dimension_semantics = [#tpu.dimension_semantics<core_parallel>, #tpu.dimension_semantics<subcore_parallel>], iteration_bounds = array<i64: 2, 16>, scalar_prefetch = 0 : i64, scratch_operands = 7 : i64, tpu.core_type = #tpu.core_type<sc_vector_subcore>, window_params = [{transform_indices = #map}, {transform_indices = #map1}, {transform_indices = #map1}, {transform_indices = #map}]} {
    %mul3A = arith.constant 16 : i32
    %mul3A_0 = arith.muli %arg0, %mul3A : i32
    %add3A = arith.addi %mul3A_0, %arg1 : i32
    %mul3A_1 = arith.constant 640 : i32
    %mul3A_2 = arith.muli %arg1, %mul3A_1 : i32
    %mul3A_3 = arith.constant 640 : i32
    %mul3A_4 = arith.muli %arg1, %mul3A_3 : i32
    "tpu.region"() ({
      %run_scoped3A = tpu.sem_alloc : memref<!tpu.dma_semaphore, #tpu.memory_space<semaphore_mem>>
      %dma_start3A = tpu.memref_slice %arg8[%mul3A_4] : memref<10240xf32, #tpu.memory_space<vmem_shared>> -> memref<640xf32, #tpu.memory_space<vmem_shared>>
      %dma_start3A_40 = tpu.memref_slice %arg4[%mul3A_2] : memref<10240xf32, #tpu.memory_space<hbm>> -> memref<640xf32, #tpu.memory_space<hbm>>
      tpu.enqueue_dma source(%dma_start3A_40 : memref<640xf32, #tpu.memory_space<hbm>>) target(%dma_start3A : memref<640xf32, #tpu.memory_space<vmem_shared>>) target_semaphore(%run_scoped3A : memref<!tpu.dma_semaphore, #tpu.memory_space<semaphore_mem>>)
      %dma_wait3A_41 = tpu.memref_slice %arg8[%mul3A_4] : memref<10240xf32, #tpu.memory_space<vmem_shared>> -> memref<640xf32, #tpu.memory_space<vmem_shared>>
      %dma_wait3A_42 = tpu.memref_slice %arg4[%mul3A_2] : memref<10240xf32, #tpu.memory_space<hbm>> -> memref<640xf32, #tpu.memory_space<hbm>>
      tpu.wait_dma2 semaphore(%run_scoped3A : memref<!tpu.dma_semaphore, #tpu.memory_space<semaphore_mem>>) src(%dma_wait3A_42 : memref<640xf32, #tpu.memory_space<hbm>>) dst(%dma_wait3A_41 : memref<640xf32, #tpu.memory_space<vmem_shared>>)
      tpu.yield
    }) : () -> ()
    "tpu.region"() ({
      %run_scoped3A = tpu.sem_alloc : memref<!tpu.dma_semaphore, #tpu.memory_space<semaphore_mem>>
      tpu.enqueue_dma source(%arg3 : memref<128xf32, #tpu.memory_space<hbm>>) target(%arg7 : memref<128xf32, #tpu.memory_space<vmem>>) target_semaphore(%run_scoped3A : memref<!tpu.dma_semaphore, #tpu.memory_space<semaphore_mem>>)
      tpu.wait_dma2 semaphore(%run_scoped3A : memref<!tpu.dma_semaphore, #tpu.memory_space<semaphore_mem>>) src(%arg3 : memref<128xf32, #tpu.memory_space<hbm>>) dst(%arg7 : memref<128xf32, #tpu.memory_space<vmem>>)
      tpu.yield
    }) : () -> ()
    %mul3A_5 = arith.constant 80 : i32
    %mul3A_6 = arith.muli %add3A, %mul3A_5 : i32
    "tpu.region"() ({
      %run_scoped3A = tpu.sem_alloc : memref<!tpu.dma_semaphore, #tpu.memory_space<semaphore_mem>>
      %dma_start3A = arith.constant 0 : i32
      %dma_start3A_40 = tpu.memref_slice %arg2[%mul3A_6, %dma_start3A] : memref<2560x128xi32, #tpu.memory_space<hbm>> -> memref<80x128xi32, #tpu.memory_space<hbm>>
      %dma_start3A_41 = arith.constant 0 : i32
      %dma_start3A_42 = tpu.memref_slice %arg2[%mul3A_6, %dma_start3A_41] : memref<2560x128xi32, #tpu.memory_space<hbm>> -> memref<80x128xi32, #tpu.memory_space<hbm>>
      tpu.enqueue_dma source(%dma_start3A_42 : memref<80x128xi32, #tpu.memory_space<hbm>>) target(%arg6 : memref<80x128xi32, #tpu.memory_space<vmem>>) target_semaphore(%run_scoped3A : memref<!tpu.dma_semaphore, #tpu.memory_space<semaphore_mem>>)
      %dma_wait3A_43 = arith.constant 0 : i32
      %dma_wait3A_44 = tpu.memref_slice %arg2[%mul3A_6, %dma_wait3A_43] : memref<2560x128xi32, #tpu.memory_space<hbm>> -> memref<80x128xi32, #tpu.memory_space<hbm>>
      %dma_wait3A_45 = arith.constant 0 : i32
      %dma_wait3A_46 = tpu.memref_slice %arg2[%mul3A_6, %dma_wait3A_45] : memref<2560x128xi32, #tpu.memory_space<hbm>> -> memref<80x128xi32, #tpu.memory_space<hbm>>
      tpu.wait_dma2 semaphore(%run_scoped3A : memref<!tpu.dma_semaphore, #tpu.memory_space<semaphore_mem>>) src(%dma_wait3A_46 : memref<80x128xi32, #tpu.memory_space<hbm>>) dst(%arg6 : memref<80x128xi32, #tpu.memory_space<vmem>>)
      tpu.yield
    }) : () -> ()
    %barrier3A = arith.constant 0 : index
    tpu.barrier barrier_id(%barrier3A)
    %scan3A = arith.constant 0 : i32
    %scan3A_7 = arith.constant 0 : i32
    %scan3A_8 = arith.constant 20 : i32
    %scan3A_9 = arith.addi %scan3A_7, %scan3A_8 : i32
    %scan3A_10 = arith.constant 1 : i32
    scf.for %scan3A_40 = %scan3A_7 to %scan3A_9 step %scan3A_10  : i32 {
      %mul3A_41 = arith.constant 4 : i32
      %mul3A_42 = arith.muli %scan3A_40, %mul3A_41 : i32
      %add3A_43 = arith.constant 0 : i32
      %add3A_44 = arith.addi %mul3A_42, %add3A_43 : i32
      %gt3A = arith.constant 0 : i32
      %gt3A_45 = arith.cmpi sgt, %scan3A_40, %gt3A : i32
      %convert_element_type3A = arith.extui %gt3A_45 : i1 to i32
      %cond3A = arith.constant 0 : i32
      %cond3A_46 = arith.cmpi ne, %convert_element_type3A, %cond3A : i32
      scf.if %cond3A_46 {
        %sub3A = arith.constant 4 : i32
        %sub3A_93 = arith.subi %add3A_44, %sub3A : i32
        %dma_wait3A_94 = arith.constant 0 : i32
        %dma_wait3A_95 = tpu.memref_slice %arg6[%sub3A_93, %dma_wait3A_94] : memref<80x128xi32, #tpu.memory_space<vmem>> -> memref<1x128xi32, #tpu.memory_space<vmem>>
        %dma_wait3A_96 = tpu.memref_squeeze %dma_wait3A_95 : memref<1x128xi32, #tpu.memory_space<vmem>> -> memref<128xi32, #tpu.memory_space<vmem>>
        %dma_wait3A_97 = arith.constant 0 : i32
        %dma_wait3A_98 = tpu.memref_slice %arg8[%dma_wait3A_97] : memref<10240xf32, #tpu.memory_space<vmem_shared>> -> memref<10240xf32, #tpu.memory_space<vmem_shared>>
        tpu.wait_indirect_dma semaphore(%arg9 : memref<!tpu.dma_semaphore, #tpu.memory_space<semaphore_mem>>) src(%arg7 : memref<128xf32, #tpu.memory_space<vmem>>) dst(%dma_wait3A_98 : memref<10240xf32, #tpu.memory_space<vmem_shared>>)
      } else {
      }
      %dma_start3A = arith.constant 0 : i32
      %dma_start3A_47 = tpu.memref_slice %arg6[%add3A_44, %dma_start3A] : memref<80x128xi32, #tpu.memory_space<vmem>> -> memref<1x128xi32, #tpu.memory_space<vmem>>
      %dma_start3A_48 = tpu.memref_squeeze %dma_start3A_47 : memref<1x128xi32, #tpu.memory_space<vmem>> -> memref<128xi32, #tpu.memory_space<vmem>>
      %dma_start3A_49 = arith.constant 0 : i32
      %dma_start3A_50 = tpu.memref_slice %arg8[%dma_start3A_49] : memref<10240xf32, #tpu.memory_space<vmem_shared>> -> memref<10240xf32, #tpu.memory_space<vmem_shared>>
      tpu.enqueue_indirect_dma source(%arg7 : memref<128xf32, #tpu.memory_space<vmem>>) target(%dma_start3A_50 : memref<10240xf32, #tpu.memory_space<vmem_shared>>) offsets(%dma_start3A_48 : memref<128xi32, #tpu.memory_space<vmem>>) semaphore(%arg9 : memref<!tpu.dma_semaphore, #tpu.memory_space<semaphore_mem>>) {add = true}
      %mul3A_51 = arith.constant 4 : i32
      %mul3A_52 = arith.muli %scan3A_40, %mul3A_51 : i32
      %add3A_53 = arith.constant 1 : i32
      %add3A_54 = arith.addi %mul3A_52, %add3A_53 : i32
      %gt3A_55 = arith.constant 0 : i32
      %gt3A_56 = arith.cmpi sgt, %scan3A_40, %gt3A_55 : i32
      %convert_element_type3A_57 = arith.extui %gt3A_56 : i1 to i32
      %cond3A_58 = arith.constant 0 : i32
      %cond3A_59 = arith.cmpi ne, %convert_element_type3A_57, %cond3A_58 : i32
      scf.if %cond3A_59 {
        %sub3A = arith.constant 4 : i32
        %sub3A_93 = arith.subi %add3A_54, %sub3A : i32
        %dma_wait3A_94 = arith.constant 0 : i32
        %dma_wait3A_95 = tpu.memref_slice %arg6[%sub3A_93, %dma_wait3A_94] : memref<80x128xi32, #tpu.memory_space<vmem>> -> memref<1x128xi32, #tpu.memory_space<vmem>>
        %dma_wait3A_96 = tpu.memref_squeeze %dma_wait3A_95 : memref<1x128xi32, #tpu.memory_space<vmem>> -> memref<128xi32, #tpu.memory_space<vmem>>
        %dma_wait3A_97 = arith.constant 0 : i32
        %dma_wait3A_98 = tpu.memref_slice %arg8[%dma_wait3A_97] : memref<10240xf32, #tpu.memory_space<vmem_shared>> -> memref<10240xf32, #tpu.memory_space<vmem_shared>>
        tpu.wait_indirect_dma semaphore(%arg10 : memref<!tpu.dma_semaphore, #tpu.memory_space<semaphore_mem>>) src(%arg7 : memref<128xf32, #tpu.memory_space<vmem>>) dst(%dma_wait3A_98 : memref<10240xf32, #tpu.memory_space<vmem_shared>>)
      } else {
      }
      %dma_start3A_60 = arith.constant 0 : i32
      %dma_start3A_61 = tpu.memref_slice %arg6[%add3A_54, %dma_start3A_60] : memref<80x128xi32, #tpu.memory_space<vmem>> -> memref<1x128xi32, #tpu.memory_space<vmem>>
      %dma_start3A_62 = tpu.memref_squeeze %dma_start3A_61 : memref<1x128xi32, #tpu.memory_space<vmem>> -> memref<128xi32, #tpu.memory_space<vmem>>
      %dma_start3A_63 = arith.constant 0 : i32
      %dma_start3A_64 = tpu.memref_slice %arg8[%dma_start3A_63] : memref<10240xf32, #tpu.memory_space<vmem_shared>> -> memref<10240xf32, #tpu.memory_space<vmem_shared>>
      tpu.enqueue_indirect_dma source(%arg7 : memref<128xf32, #tpu.memory_space<vmem>>) target(%dma_start3A_64 : memref<10240xf32, #tpu.memory_space<vmem_shared>>) offsets(%dma_start3A_62 : memref<128xi32, #tpu.memory_space<vmem>>) semaphore(%arg10 : memref<!tpu.dma_semaphore, #tpu.memory_space<semaphore_mem>>) {add = true}
      %mul3A_65 = arith.constant 4 : i32
      %mul3A_66 = arith.muli %scan3A_40, %mul3A_65 : i32
      %add3A_67 = arith.constant 2 : i32
      %add3A_68 = arith.addi %mul3A_66, %add3A_67 : i32
      %gt3A_69 = arith.constant 0 : i32
      %gt3A_70 = arith.cmpi sgt, %scan3A_40, %gt3A_69 : i32
      %convert_element_type3A_71 = arith.extui %gt3A_70 : i1 to i32
      %cond3A_72 = arith.constant 0 : i32
      %cond3A_73 = arith.cmpi ne, %convert_element_type3A_71, %cond3A_72 : i32
      scf.if %cond3A_73 {
        %sub3A = arith.constant 4 : i32
        %sub3A_93 = arith.subi %add3A_68, %sub3A : i32
        %dma_wait3A_94 = arith.constant 0 : i32
        %dma_wait3A_95 = tpu.memref_slice %arg6[%sub3A_93, %dma_wait3A_94] : memref<80x128xi32, #tpu.memory_space<vmem>> -> memref<1x128xi32, #tpu.memory_space<vmem>>
        %dma_wait3A_96 = tpu.memref_squeeze %dma_wait3A_95 : memref<1x128xi32, #tpu.memory_space<vmem>> -> memref<128xi32, #tpu.memory_space<vmem>>
        %dma_wait3A_97 = arith.constant 0 : i32
        %dma_wait3A_98 = tpu.memref_slice %arg8[%dma_wait3A_97] : memref<10240xf32, #tpu.memory_space<vmem_shared>> -> memref<10240xf32, #tpu.memory_space<vmem_shared>>
        tpu.wait_indirect_dma semaphore(%arg11 : memref<!tpu.dma_semaphore, #tpu.memory_space<semaphore_mem>>) src(%arg7 : memref<128xf32, #tpu.memory_space<vmem>>) dst(%dma_wait3A_98 : memref<10240xf32, #tpu.memory_space<vmem_shared>>)
      } else {
      }
      %dma_start3A_74 = arith.constant 0 : i32
      %dma_start3A_75 = tpu.memref_slice %arg6[%add3A_68, %dma_start3A_74] : memref<80x128xi32, #tpu.memory_space<vmem>> -> memref<1x128xi32, #tpu.memory_space<vmem>>
      %dma_start3A_76 = tpu.memref_squeeze %dma_start3A_75 : memref<1x128xi32, #tpu.memory_space<vmem>> -> memref<128xi32, #tpu.memory_space<vmem>>
      %dma_start3A_77 = arith.constant 0 : i32
      %dma_start3A_78 = tpu.memref_slice %arg8[%dma_start3A_77] : memref<10240xf32, #tpu.memory_space<vmem_shared>> -> memref<10240xf32, #tpu.memory_space<vmem_shared>>
      tpu.enqueue_indirect_dma source(%arg7 : memref<128xf32, #tpu.memory_space<vmem>>) target(%dma_start3A_78 : memref<10240xf32, #tpu.memory_space<vmem_shared>>) offsets(%dma_start3A_76 : memref<128xi32, #tpu.memory_space<vmem>>) semaphore(%arg11 : memref<!tpu.dma_semaphore, #tpu.memory_space<semaphore_mem>>) {add = true}
      %mul3A_79 = arith.constant 4 : i32
      %mul3A_80 = arith.muli %scan3A_40, %mul3A_79 : i32
      %add3A_81 = arith.constant 3 : i32
      %add3A_82 = arith.addi %mul3A_80, %add3A_81 : i32
      %gt3A_83 = arith.constant 0 : i32
      %gt3A_84 = arith.cmpi sgt, %scan3A_40, %gt3A_83 : i32
      %convert_element_type3A_85 = arith.extui %gt3A_84 : i1 to i32
      %cond3A_86 = arith.constant 0 : i32
      %cond3A_87 = arith.cmpi ne, %convert_element_type3A_85, %cond3A_86 : i32
      scf.if %cond3A_87 {
        %sub3A = arith.constant 4 : i32
        %sub3A_93 = arith.subi %add3A_82, %sub3A : i32
        %dma_wait3A_94 = arith.constant 0 : i32
        %dma_wait3A_95 = tpu.memref_slice %arg6[%sub3A_93, %dma_wait3A_94] : memref<80x128xi32, #tpu.memory_space<vmem>> -> memref<1x128xi32, #tpu.memory_space<vmem>>
        %dma_wait3A_96 = tpu.memref_squeeze %dma_wait3A_95 : memref<1x128xi32, #tpu.memory_space<vmem>> -> memref<128xi32, #tpu.memory_space<vmem>>
        %dma_wait3A_97 = arith.constant 0 : i32
        %dma_wait3A_98 = tpu.memref_slice %arg8[%dma_wait3A_97] : memref<10240xf32, #tpu.memory_space<vmem_shared>> -> memref<10240xf32, #tpu.memory_space<vmem_shared>>
        tpu.wait_indirect_dma semaphore(%arg12 : memref<!tpu.dma_semaphore, #tpu.memory_space<semaphore_mem>>) src(%arg7 : memref<128xf32, #tpu.memory_space<vmem>>) dst(%dma_wait3A_98 : memref<10240xf32, #tpu.memory_space<vmem_shared>>)
      } else {
      }
      %dma_start3A_88 = arith.constant 0 : i32
      %dma_start3A_89 = tpu.memref_slice %arg6[%add3A_82, %dma_start3A_88] : memref<80x128xi32, #tpu.memory_space<vmem>> -> memref<1x128xi32, #tpu.memory_space<vmem>>
      %dma_start3A_90 = tpu.memref_squeeze %dma_start3A_89 : memref<1x128xi32, #tpu.memory_space<vmem>> -> memref<128xi32, #tpu.memory_space<vmem>>
      %dma_start3A_91 = arith.constant 0 : i32
      %dma_start3A_92 = tpu.memref_slice %arg8[%dma_start3A_91] : memref<10240xf32, #tpu.memory_space<vmem_shared>> -> memref<10240xf32, #tpu.memory_space<vmem_shared>>
      tpu.enqueue_indirect_dma source(%arg7 : memref<128xf32, #tpu.memory_space<vmem>>) target(%dma_start3A_92 : memref<10240xf32, #tpu.memory_space<vmem_shared>>) offsets(%dma_start3A_90 : memref<128xi32, #tpu.memory_space<vmem>>) semaphore(%arg12 : memref<!tpu.dma_semaphore, #tpu.memory_space<semaphore_mem>>) {add = true}
    }
    %scan3A_11 = arith.constant 20 : i32
    %dma_wait3A = arith.constant 76 : i32
    %dma_wait3A_12 = arith.constant 0 : i32
    %dma_wait3A_13 = tpu.memref_slice %arg6[%dma_wait3A, %dma_wait3A_12] : memref<80x128xi32, #tpu.memory_space<vmem>> -> memref<1x128xi32, #tpu.memory_space<vmem>>
    %dma_wait3A_14 = tpu.memref_squeeze %dma_wait3A_13 : memref<1x128xi32, #tpu.memory_space<vmem>> -> memref<128xi32, #tpu.memory_space<vmem>>
    %dma_wait3A_15 = arith.constant 0 : i32
    %dma_wait3A_16 = tpu.memref_slice %arg8[%dma_wait3A_15] : memref<10240xf32, #tpu.memory_space<vmem_shared>> -> memref<10240xf32, #tpu.memory_space<vmem_shared>>
    tpu.wait_indirect_dma semaphore(%arg9 : memref<!tpu.dma_semaphore, #tpu.memory_space<semaphore_mem>>) src(%arg7 : memref<128xf32, #tpu.memory_space<vmem>>) dst(%dma_wait3A_16 : memref<10240xf32, #tpu.memory_space<vmem_shared>>)
    %dma_wait3A_17 = arith.constant 77 : i32
    %dma_wait3A_18 = arith.constant 0 : i32
    %dma_wait3A_19 = tpu.memref_slice %arg6[%dma_wait3A_17, %dma_wait3A_18] : memref<80x128xi32, #tpu.memory_space<vmem>> -> memref<1x128xi32, #tpu.memory_space<vmem>>
    %dma_wait3A_20 = tpu.memref_squeeze %dma_wait3A_19 : memref<1x128xi32, #tpu.memory_space<vmem>> -> memref<128xi32, #tpu.memory_space<vmem>>
    %dma_wait3A_21 = arith.constant 0 : i32
    %dma_wait3A_22 = tpu.memref_slice %arg8[%dma_wait3A_21] : memref<10240xf32, #tpu.memory_space<vmem_shared>> -> memref<10240xf32, #tpu.memory_space<vmem_shared>>
    tpu.wait_indirect_dma semaphore(%arg10 : memref<!tpu.dma_semaphore, #tpu.memory_space<semaphore_mem>>) src(%arg7 : memref<128xf32, #tpu.memory_space<vmem>>) dst(%dma_wait3A_22 : memref<10240xf32, #tpu.memory_space<vmem_shared>>)
    %dma_wait3A_23 = arith.constant 78 : i32
    %dma_wait3A_24 = arith.constant 0 : i32
    %dma_wait3A_25 = tpu.memref_slice %arg6[%dma_wait3A_23, %dma_wait3A_24] : memref<80x128xi32, #tpu.memory_space<vmem>> -> memref<1x128xi32, #tpu.memory_space<vmem>>
    %dma_wait3A_26 = tpu.memref_squeeze %dma_wait3A_25 : memref<1x128xi32, #tpu.memory_space<vmem>> -> memref<128xi32, #tpu.memory_space<vmem>>
    %dma_wait3A_27 = arith.constant 0 : i32
    %dma_wait3A_28 = tpu.memref_slice %arg8[%dma_wait3A_27] : memref<10240xf32, #tpu.memory_space<vmem_shared>> -> memref<10240xf32, #tpu.memory_space<vmem_shared>>
    tpu.wait_indirect_dma semaphore(%arg11 : memref<!tpu.dma_semaphore, #tpu.memory_space<semaphore_mem>>) src(%arg7 : memref<128xf32, #tpu.memory_space<vmem>>) dst(%dma_wait3A_28 : memref<10240xf32, #tpu.memory_space<vmem_shared>>)
    %dma_wait3A_29 = arith.constant 79 : i32
    %dma_wait3A_30 = arith.constant 0 : i32
    %dma_wait3A_31 = tpu.memref_slice %arg6[%dma_wait3A_29, %dma_wait3A_30] : memref<80x128xi32, #tpu.memory_space<vmem>> -> memref<1x128xi32, #tpu.memory_space<vmem>>
    %dma_wait3A_32 = tpu.memref_squeeze %dma_wait3A_31 : memref<1x128xi32, #tpu.memory_space<vmem>> -> memref<128xi32, #tpu.memory_space<vmem>>
    %dma_wait3A_33 = arith.constant 0 : i32
    %dma_wait3A_34 = tpu.memref_slice %arg8[%dma_wait3A_33] : memref<10240xf32, #tpu.memory_space<vmem_shared>> -> memref<10240xf32, #tpu.memory_space<vmem_shared>>
    tpu.wait_indirect_dma semaphore(%arg12 : memref<!tpu.dma_semaphore, #tpu.memory_space<semaphore_mem>>) src(%arg7 : memref<128xf32, #tpu.memory_space<vmem>>) dst(%dma_wait3A_34 : memref<10240xf32, #tpu.memory_space<vmem_shared>>)
    %barrier3A_35 = arith.constant 0 : index
    tpu.barrier barrier_id(%barrier3A_35)
    %mul3A_36 = arith.constant 640 : i32
    %mul3A_37 = arith.muli %arg1, %mul3A_36 : i32
    %mul3A_38 = arith.constant 640 : i32
    %mul3A_39 = arith.muli %arg1, %mul3A_38 : i32
    "tpu.region"() ({
      %run_scoped3A = tpu.sem_alloc : memref<!tpu.dma_semaphore, #tpu.memory_space<semaphore_mem>>
      %dma_start3A = tpu.memref_slice %arg5[%arg0, %mul3A_39] : memref<2x10240xf32, #tpu.memory_space<hbm>> -> memref<1x640xf32, #tpu.memory_space<hbm>>
      %dma_start3A_40 = tpu.memref_squeeze %dma_start3A : memref<1x640xf32, #tpu.memory_space<hbm>> -> memref<640xf32, #tpu.memory_space<hbm>>
      %dma_start3A_41 = tpu.memref_slice %arg8[%mul3A_37] : memref<10240xf32, #tpu.memory_space<vmem_shared>> -> memref<640xf32, #tpu.memory_space<vmem_shared>>
      tpu.enqueue_dma source(%dma_start3A_41 : memref<640xf32, #tpu.memory_space<vmem_shared>>) target(%dma_start3A_40 : memref<640xf32, #tpu.memory_space<hbm>>) target_semaphore(%run_scoped3A : memref<!tpu.dma_semaphore, #tpu.memory_space<semaphore_mem>>)
      %dma_wait3A_42 = tpu.memref_slice %arg5[%arg0, %mul3A_39] : memref<2x10240xf32, #tpu.memory_space<hbm>> -> memref<1x640xf32, #tpu.memory_space<hbm>>
      %dma_wait3A_43 = tpu.memref_squeeze %dma_wait3A_42 : memref<1x640xf32, #tpu.memory_space<hbm>> -> memref<640xf32, #tpu.memory_space<hbm>>
      %dma_wait3A_44 = tpu.memref_slice %arg8[%mul3A_37] : memref<10240xf32, #tpu.memory_space<vmem_shared>> -> memref<640xf32, #tpu.memory_space<vmem_shared>>
      tpu.wait_dma2 semaphore(%run_scoped3A : memref<!tpu.dma_semaphore, #tpu.memory_space<semaphore_mem>>) src(%dma_wait3A_44 : memref<640xf32, #tpu.memory_space<vmem_shared>>) dst(%dma_wait3A_43 : memref<640xf32, #tpu.memory_space<hbm>>)
      tpu.yield
    }) : () -> ()
    return
  }
}

#map = affine_map<(d0, d1) -> (0, 0)>
#map1 = affine_map<(d0, d1) -> (0, 0, 0)>
module attributes {stable_mosaic.version = 14 : i64} {
  func.func @agg_kernel(%arg0: i32, %arg1: i32, %arg2: memref<2560x128xi32, #tpu.memory_space<hbm>>, %arg3: memref<2560x128xi32, #tpu.memory_space<hbm>>, %arg4: memref<10000x128xf32, #tpu.memory_space<hbm>>, %arg5: memref<10240x128xf32, #tpu.memory_space<hbm>>, %arg6: memref<2x10240x128xf32, #tpu.memory_space<hbm>>, %arg7: memref<128xi32, #tpu.memory_space<vmem>>, %arg8: memref<128xi32, #tpu.memory_space<vmem>>, %arg9: memref<128x128xf32, #tpu.memory_space<vmem>>, %arg10: memref<10240x128xf32, #tpu.memory_space<vmem_shared>>, %arg11: memref<!tpu.dma_semaphore, #tpu.memory_space<semaphore_mem>>) attributes {dimension_semantics = [#tpu.dimension_semantics<core_parallel>, #tpu.dimension_semantics<subcore_parallel>], iteration_bounds = array<i64: 2, 16>, scalar_prefetch = 0 : i64, scratch_operands = 5 : i64, tpu.core_type = #tpu.core_type<sc_vector_subcore>, window_params = [{transform_indices = #map}, {transform_indices = #map}, {transform_indices = #map}, {transform_indices = #map}, {transform_indices = #map1}]} {
    %mul3A = arith.constant 640 : i32
    %mul3A_0 = arith.muli %arg1, %mul3A : i32
    %mul3A_1 = arith.constant 640 : i32
    %mul3A_2 = arith.muli %arg1, %mul3A_1 : i32
    "tpu.region"() ({
      %run_scoped3A = tpu.sem_alloc : memref<!tpu.dma_semaphore, #tpu.memory_space<semaphore_mem>>
      %dma_start3A = arith.constant 0 : i32
      %dma_start3A_15 = tpu.memref_slice %arg10[%mul3A_2, %dma_start3A] : memref<10240x128xf32, #tpu.memory_space<vmem_shared>> -> memref<640x128xf32, #tpu.memory_space<vmem_shared>>
      %dma_start3A_16 = arith.constant 0 : i32
      %dma_start3A_17 = tpu.memref_slice %arg5[%mul3A_0, %dma_start3A_16] : memref<10240x128xf32, #tpu.memory_space<hbm>> -> memref<640x128xf32, #tpu.memory_space<hbm>>
      tpu.enqueue_dma source(%dma_start3A_17 : memref<640x128xf32, #tpu.memory_space<hbm>>) target(%dma_start3A_15 : memref<640x128xf32, #tpu.memory_space<vmem_shared>>) target_semaphore(%run_scoped3A : memref<!tpu.dma_semaphore, #tpu.memory_space<semaphore_mem>>)
      %dma_wait3A = arith.constant 0 : i32
      %dma_wait3A_18 = tpu.memref_slice %arg10[%mul3A_2, %dma_wait3A] : memref<10240x128xf32, #tpu.memory_space<vmem_shared>> -> memref<640x128xf32, #tpu.memory_space<vmem_shared>>
      %dma_wait3A_19 = arith.constant 0 : i32
      %dma_wait3A_20 = tpu.memref_slice %arg5[%mul3A_0, %dma_wait3A_19] : memref<10240x128xf32, #tpu.memory_space<hbm>> -> memref<640x128xf32, #tpu.memory_space<hbm>>
      tpu.wait_dma2 semaphore(%run_scoped3A : memref<!tpu.dma_semaphore, #tpu.memory_space<semaphore_mem>>) src(%dma_wait3A_20 : memref<640x128xf32, #tpu.memory_space<hbm>>) dst(%dma_wait3A_18 : memref<640x128xf32, #tpu.memory_space<vmem_shared>>)
      tpu.yield
    }) : () -> ()
    %barrier3A = arith.constant 0 : index
    tpu.barrier barrier_id(%barrier3A)
    %mul3A_3 = arith.constant 16 : i32
    %mul3A_4 = arith.muli %arg0, %mul3A_3 : i32
    %add3A = arith.addi %mul3A_4, %arg1 : i32
    %scan3A = arith.constant 0 : i32
    %scan3A_5 = arith.constant 0 : i32
    %scan3A_6 = arith.constant 80 : i32
    %scan3A_7 = arith.addi %scan3A_5, %scan3A_6 : i32
    %scan3A_8 = arith.constant 1 : i32
    scf.for %scan3A_15 = %scan3A_5 to %scan3A_7 step %scan3A_8  : i32 {
      %mul3A_16 = arith.constant 80 : i32
      %mul3A_17 = arith.muli %add3A, %mul3A_16 : i32
      %add3A_18 = arith.addi %mul3A_17, %scan3A_15 : i32
      "tpu.region"() ({
        %run_scoped3A = tpu.sem_alloc : memref<!tpu.dma_semaphore, #tpu.memory_space<semaphore_mem>>
        %dma_start3A_23 = arith.constant 0 : i32
        %dma_start3A_24 = tpu.memref_slice %arg2[%add3A_18, %dma_start3A_23] : memref<2560x128xi32, #tpu.memory_space<hbm>> -> memref<1x128xi32, #tpu.memory_space<hbm>>
        %dma_start3A_25 = tpu.memref_squeeze %dma_start3A_24 : memref<1x128xi32, #tpu.memory_space<hbm>> -> memref<128xi32, #tpu.memory_space<hbm>>
        %dma_start3A_26 = arith.constant 0 : i32
        %dma_start3A_27 = tpu.memref_slice %arg2[%add3A_18, %dma_start3A_26] : memref<2560x128xi32, #tpu.memory_space<hbm>> -> memref<1x128xi32, #tpu.memory_space<hbm>>
        %dma_start3A_28 = tpu.memref_squeeze %dma_start3A_27 : memref<1x128xi32, #tpu.memory_space<hbm>> -> memref<128xi32, #tpu.memory_space<hbm>>
        tpu.enqueue_dma source(%dma_start3A_28 : memref<128xi32, #tpu.memory_space<hbm>>) target(%arg7 : memref<128xi32, #tpu.memory_space<vmem>>) target_semaphore(%run_scoped3A : memref<!tpu.dma_semaphore, #tpu.memory_space<semaphore_mem>>)
        %dma_wait3A_29 = arith.constant 0 : i32
        %dma_wait3A_30 = tpu.memref_slice %arg2[%add3A_18, %dma_wait3A_29] : memref<2560x128xi32, #tpu.memory_space<hbm>> -> memref<1x128xi32, #tpu.memory_space<hbm>>
        %dma_wait3A_31 = tpu.memref_squeeze %dma_wait3A_30 : memref<1x128xi32, #tpu.memory_space<hbm>> -> memref<128xi32, #tpu.memory_space<hbm>>
        %dma_wait3A_32 = arith.constant 0 : i32
        %dma_wait3A_33 = tpu.memref_slice %arg2[%add3A_18, %dma_wait3A_32] : memref<2560x128xi32, #tpu.memory_space<hbm>> -> memref<1x128xi32, #tpu.memory_space<hbm>>
        %dma_wait3A_34 = tpu.memref_squeeze %dma_wait3A_33 : memref<1x128xi32, #tpu.memory_space<hbm>> -> memref<128xi32, #tpu.memory_space<hbm>>
        tpu.wait_dma2 semaphore(%run_scoped3A : memref<!tpu.dma_semaphore, #tpu.memory_space<semaphore_mem>>) src(%dma_wait3A_34 : memref<128xi32, #tpu.memory_space<hbm>>) dst(%arg7 : memref<128xi32, #tpu.memory_space<vmem>>)
        tpu.yield
      }) : () -> ()
      "tpu.region"() ({
        %run_scoped3A = tpu.sem_alloc : memref<!tpu.dma_semaphore, #tpu.memory_space<semaphore_mem>>
        %dma_start3A_23 = arith.constant 0 : i32
        %dma_start3A_24 = tpu.memref_slice %arg3[%add3A_18, %dma_start3A_23] : memref<2560x128xi32, #tpu.memory_space<hbm>> -> memref<1x128xi32, #tpu.memory_space<hbm>>
        %dma_start3A_25 = tpu.memref_squeeze %dma_start3A_24 : memref<1x128xi32, #tpu.memory_space<hbm>> -> memref<128xi32, #tpu.memory_space<hbm>>
        %dma_start3A_26 = arith.constant 0 : i32
        %dma_start3A_27 = tpu.memref_slice %arg3[%add3A_18, %dma_start3A_26] : memref<2560x128xi32, #tpu.memory_space<hbm>> -> memref<1x128xi32, #tpu.memory_space<hbm>>
        %dma_start3A_28 = tpu.memref_squeeze %dma_start3A_27 : memref<1x128xi32, #tpu.memory_space<hbm>> -> memref<128xi32, #tpu.memory_space<hbm>>
        tpu.enqueue_dma source(%dma_start3A_28 : memref<128xi32, #tpu.memory_space<hbm>>) target(%arg8 : memref<128xi32, #tpu.memory_space<vmem>>) target_semaphore(%run_scoped3A : memref<!tpu.dma_semaphore, #tpu.memory_space<semaphore_mem>>)
        %dma_wait3A_29 = arith.constant 0 : i32
        %dma_wait3A_30 = tpu.memref_slice %arg3[%add3A_18, %dma_wait3A_29] : memref<2560x128xi32, #tpu.memory_space<hbm>> -> memref<1x128xi32, #tpu.memory_space<hbm>>
        %dma_wait3A_31 = tpu.memref_squeeze %dma_wait3A_30 : memref<1x128xi32, #tpu.memory_space<hbm>> -> memref<128xi32, #tpu.memory_space<hbm>>
        %dma_wait3A_32 = arith.constant 0 : i32
        %dma_wait3A_33 = tpu.memref_slice %arg3[%add3A_18, %dma_wait3A_32] : memref<2560x128xi32, #tpu.memory_space<hbm>> -> memref<1x128xi32, #tpu.memory_space<hbm>>
        %dma_wait3A_34 = tpu.memref_squeeze %dma_wait3A_33 : memref<1x128xi32, #tpu.memory_space<hbm>> -> memref<128xi32, #tpu.memory_space<hbm>>
        tpu.wait_dma2 semaphore(%run_scoped3A : memref<!tpu.dma_semaphore, #tpu.memory_space<semaphore_mem>>) src(%dma_wait3A_34 : memref<128xi32, #tpu.memory_space<hbm>>) dst(%arg8 : memref<128xi32, #tpu.memory_space<vmem>>)
        tpu.yield
      }) : () -> ()
      %dma_start3A = arith.constant 0 : i32
      %dma_start3A_19 = arith.constant 0 : i32
      %dma_start3A_20 = tpu.memref_slice %arg4[%dma_start3A, %dma_start3A_19] : memref<10000x128xf32, #tpu.memory_space<hbm>> -> memref<10000x128xf32, #tpu.memory_space<hbm>>
      tpu.enqueue_indirect_dma source(%dma_start3A_20 : memref<10000x128xf32, #tpu.memory_space<hbm>>) target(%arg9 : memref<128x128xf32, #tpu.memory_space<vmem>>) offsets(%arg7 : memref<128xi32, #tpu.memory_space<vmem>>) semaphore(%arg11 : memref<!tpu.dma_semaphore, #tpu.memory_space<semaphore_mem>>)
      %dma_wait3A = arith.constant 0 : i32
      %dma_wait3A_21 = arith.constant 0 : i32
      %dma_wait3A_22 = tpu.memref_slice %arg4[%dma_wait3A, %dma_wait3A_21] : memref<10000x128xf32, #tpu.memory_space<hbm>> -> memref<10000x128xf32, #tpu.memory_space<hbm>>
      tpu.wait_indirect_dma semaphore(%arg11 : memref<!tpu.dma_semaphore, #tpu.memory_space<semaphore_mem>>) src(%dma_wait3A_22 : memref<10000x128xf32, #tpu.memory_space<hbm>>) dst(%arg9 : memref<128x128xf32, #tpu.memory_space<vmem>>)
      "tpu.region"() ({
        %run_scoped3A = tpu.sem_alloc : memref<!tpu.dma_semaphore, #tpu.memory_space<semaphore_mem>>
        %dma_start3A_23 = arith.constant 0 : i32
        %dma_start3A_24 = arith.constant 0 : i32
        %dma_start3A_25 = tpu.memref_slice %arg10[%dma_start3A_23, %dma_start3A_24] : memref<10240x128xf32, #tpu.memory_space<vmem_shared>> -> memref<10240x128xf32, #tpu.memory_space<vmem_shared>>
        tpu.enqueue_indirect_dma source(%arg9 : memref<128x128xf32, #tpu.memory_space<vmem>>) target(%dma_start3A_25 : memref<10240x128xf32, #tpu.memory_space<vmem_shared>>) offsets(%arg8 : memref<128xi32, #tpu.memory_space<vmem>>) semaphore(%run_scoped3A : memref<!tpu.dma_semaphore, #tpu.memory_space<semaphore_mem>>) {add = true}
        %dma_wait3A_26 = arith.constant 0 : i32
        %dma_wait3A_27 = arith.constant 0 : i32
        %dma_wait3A_28 = tpu.memref_slice %arg10[%dma_wait3A_26, %dma_wait3A_27] : memref<10240x128xf32, #tpu.memory_space<vmem_shared>> -> memref<10240x128xf32, #tpu.memory_space<vmem_shared>>
        tpu.wait_indirect_dma semaphore(%run_scoped3A : memref<!tpu.dma_semaphore, #tpu.memory_space<semaphore_mem>>) src(%arg9 : memref<128x128xf32, #tpu.memory_space<vmem>>) dst(%dma_wait3A_28 : memref<10240x128xf32, #tpu.memory_space<vmem_shared>>)
        tpu.yield
      }) : () -> ()
    }
    %scan3A_9 = arith.constant 80 : i32
    %barrier3A_10 = arith.constant 0 : index
    tpu.barrier barrier_id(%barrier3A_10)
    %mul3A_11 = arith.constant 640 : i32
    %mul3A_12 = arith.muli %arg1, %mul3A_11 : i32
    %mul3A_13 = arith.constant 640 : i32
    %mul3A_14 = arith.muli %arg1, %mul3A_13 : i32
    "tpu.region"() ({
      %run_scoped3A = tpu.sem_alloc : memref<!tpu.dma_semaphore, #tpu.memory_space<semaphore_mem>>
      %dma_start3A = arith.constant 0 : i32
      %dma_start3A_15 = tpu.memref_slice %arg6[%arg0, %mul3A_14, %dma_start3A] : memref<2x10240x128xf32, #tpu.memory_space<hbm>> -> memref<1x640x128xf32, #tpu.memory_space<hbm>>
      %dma_start3A_16 = tpu.memref_squeeze %dma_start3A_15 : memref<1x640x128xf32, #tpu.memory_space<hbm>> -> memref<640x128xf32, #tpu.memory_space<hbm>>
      %dma_start3A_17 = arith.constant 0 : i32
      %dma_start3A_18 = tpu.memref_slice %arg10[%mul3A_12, %dma_start3A_17] : memref<10240x128xf32, #tpu.memory_space<vmem_shared>> -> memref<640x128xf32, #tpu.memory_space<vmem_shared>>
      tpu.enqueue_dma source(%dma_start3A_18 : memref<640x128xf32, #tpu.memory_space<vmem_shared>>) target(%dma_start3A_16 : memref<640x128xf32, #tpu.memory_space<hbm>>) target_semaphore(%run_scoped3A : memref<!tpu.dma_semaphore, #tpu.memory_space<semaphore_mem>>)
      %dma_wait3A = arith.constant 0 : i32
      %dma_wait3A_19 = tpu.memref_slice %arg6[%arg0, %mul3A_14, %dma_wait3A] : memref<2x10240x128xf32, #tpu.memory_space<hbm>> -> memref<1x640x128xf32, #tpu.memory_space<hbm>>
      %dma_wait3A_20 = tpu.memref_squeeze %dma_wait3A_19 : memref<1x640x128xf32, #tpu.memory_space<hbm>> -> memref<640x128xf32, #tpu.memory_space<hbm>>
      %dma_wait3A_21 = arith.constant 0 : i32
      %dma_wait3A_22 = tpu.memref_slice %arg10[%mul3A_12, %dma_wait3A_21] : memref<10240x128xf32, #tpu.memory_space<vmem_shared>> -> memref<640x128xf32, #tpu.memory_space<vmem_shared>>
      tpu.wait_dma2 semaphore(%run_scoped3A : memref<!tpu.dma_semaphore, #tpu.memory_space<semaphore_mem>>) src(%dma_wait3A_22 : memref<640x128xf32, #tpu.memory_space<vmem_shared>>) dst(%dma_wait3A_20 : memref<640x128xf32, #tpu.memory_space<hbm>>)
      tpu.yield
    }) : () -> ()
    return
  }
}

#map = affine_map<(d0, d1) -> (0, 0)>
#map1 = affine_map<(d0, d1) -> (0, 0, 0)>
module attributes {stable_mosaic.version = 14 : i64} {
  func.func @agg_kernel(%arg0: i32, %arg1: i32, %arg2: memref<2560x128xi32, #tpu.memory_space<hbm>>, %arg3: memref<2560x128xi32, #tpu.memory_space<hbm>>, %arg4: memref<10000x128xf32, #tpu.memory_space<hbm>>, %arg5: memref<10240x128xf32, #tpu.memory_space<hbm>>, %arg6: memref<2x10240x128xf32, #tpu.memory_space<hbm>>, %arg7: memref<128xi32, #tpu.memory_space<vmem>>, %arg8: memref<128xi32, #tpu.memory_space<vmem>>, %arg9: memref<128x128xf32, #tpu.memory_space<vmem>>, %arg10: memref<10240x128xf32, #tpu.memory_space<vmem_shared>>, %arg11: memref<!tpu.dma_semaphore, #tpu.memory_space<semaphore_mem>>) attributes {dimension_semantics = [#tpu.dimension_semantics<core_parallel>, #tpu.dimension_semantics<subcore_parallel>], iteration_bounds = array<i64: 2, 16>, scalar_prefetch = 0 : i64, scratch_operands = 5 : i64, tpu.core_type = #tpu.core_type<sc_vector_subcore>, window_params = [{transform_indices = #map}, {transform_indices = #map}, {transform_indices = #map}, {transform_indices = #map}, {transform_indices = #map1}]} {
    %mul3A = arith.constant 640 : i32
    %mul3A_0 = arith.muli %arg1, %mul3A : i32
    %mul3A_1 = arith.constant 640 : i32
    %mul3A_2 = arith.muli %arg1, %mul3A_1 : i32
    "tpu.region"() ({
      %run_scoped3A = tpu.sem_alloc : memref<!tpu.dma_semaphore, #tpu.memory_space<semaphore_mem>>
      %dma_start3A = arith.constant 0 : i32
      %dma_start3A_15 = tpu.memref_slice %arg10[%mul3A_2, %dma_start3A] : memref<10240x128xf32, #tpu.memory_space<vmem_shared>> -> memref<640x128xf32, #tpu.memory_space<vmem_shared>>
      %dma_start3A_16 = arith.constant 0 : i32
      %dma_start3A_17 = tpu.memref_slice %arg5[%mul3A_0, %dma_start3A_16] : memref<10240x128xf32, #tpu.memory_space<hbm>> -> memref<640x128xf32, #tpu.memory_space<hbm>>
      tpu.enqueue_dma source(%dma_start3A_17 : memref<640x128xf32, #tpu.memory_space<hbm>>) target(%dma_start3A_15 : memref<640x128xf32, #tpu.memory_space<vmem_shared>>) target_semaphore(%run_scoped3A : memref<!tpu.dma_semaphore, #tpu.memory_space<semaphore_mem>>)
      %dma_wait3A = arith.constant 0 : i32
      %dma_wait3A_18 = tpu.memref_slice %arg10[%mul3A_2, %dma_wait3A] : memref<10240x128xf32, #tpu.memory_space<vmem_shared>> -> memref<640x128xf32, #tpu.memory_space<vmem_shared>>
      %dma_wait3A_19 = arith.constant 0 : i32
      %dma_wait3A_20 = tpu.memref_slice %arg5[%mul3A_0, %dma_wait3A_19] : memref<10240x128xf32, #tpu.memory_space<hbm>> -> memref<640x128xf32, #tpu.memory_space<hbm>>
      tpu.wait_dma2 semaphore(%run_scoped3A : memref<!tpu.dma_semaphore, #tpu.memory_space<semaphore_mem>>) src(%dma_wait3A_20 : memref<640x128xf32, #tpu.memory_space<hbm>>) dst(%dma_wait3A_18 : memref<640x128xf32, #tpu.memory_space<vmem_shared>>)
      tpu.yield
    }) : () -> ()
    %barrier3A = arith.constant 0 : index
    tpu.barrier barrier_id(%barrier3A)
    %mul3A_3 = arith.constant 16 : i32
    %mul3A_4 = arith.muli %arg0, %mul3A_3 : i32
    %add3A = arith.addi %mul3A_4, %arg1 : i32
    %scan3A = arith.constant 0 : i32
    %scan3A_5 = arith.constant 0 : i32
    %scan3A_6 = arith.constant 80 : i32
    %scan3A_7 = arith.addi %scan3A_5, %scan3A_6 : i32
    %scan3A_8 = arith.constant 1 : i32
    scf.for %scan3A_15 = %scan3A_5 to %scan3A_7 step %scan3A_8  : i32 {
      %mul3A_16 = arith.constant 80 : i32
      %mul3A_17 = arith.muli %add3A, %mul3A_16 : i32
      %add3A_18 = arith.addi %mul3A_17, %scan3A_15 : i32
      "tpu.region"() ({
        %run_scoped3A = tpu.sem_alloc : memref<!tpu.dma_semaphore, #tpu.memory_space<semaphore_mem>>
        %dma_start3A_23 = arith.constant 0 : i32
        %dma_start3A_24 = tpu.memref_slice %arg2[%add3A_18, %dma_start3A_23] : memref<2560x128xi32, #tpu.memory_space<hbm>> -> memref<1x128xi32, #tpu.memory_space<hbm>>
        %dma_start3A_25 = tpu.memref_squeeze %dma_start3A_24 : memref<1x128xi32, #tpu.memory_space<hbm>> -> memref<128xi32, #tpu.memory_space<hbm>>
        %dma_start3A_26 = arith.constant 0 : i32
        %dma_start3A_27 = tpu.memref_slice %arg2[%add3A_18, %dma_start3A_26] : memref<2560x128xi32, #tpu.memory_space<hbm>> -> memref<1x128xi32, #tpu.memory_space<hbm>>
        %dma_start3A_28 = tpu.memref_squeeze %dma_start3A_27 : memref<1x128xi32, #tpu.memory_space<hbm>> -> memref<128xi32, #tpu.memory_space<hbm>>
        tpu.enqueue_dma source(%dma_start3A_28 : memref<128xi32, #tpu.memory_space<hbm>>) target(%arg7 : memref<128xi32, #tpu.memory_space<vmem>>) target_semaphore(%run_scoped3A : memref<!tpu.dma_semaphore, #tpu.memory_space<semaphore_mem>>)
        %dma_wait3A_29 = arith.constant 0 : i32
        %dma_wait3A_30 = tpu.memref_slice %arg2[%add3A_18, %dma_wait3A_29] : memref<2560x128xi32, #tpu.memory_space<hbm>> -> memref<1x128xi32, #tpu.memory_space<hbm>>
        %dma_wait3A_31 = tpu.memref_squeeze %dma_wait3A_30 : memref<1x128xi32, #tpu.memory_space<hbm>> -> memref<128xi32, #tpu.memory_space<hbm>>
        %dma_wait3A_32 = arith.constant 0 : i32
        %dma_wait3A_33 = tpu.memref_slice %arg2[%add3A_18, %dma_wait3A_32] : memref<2560x128xi32, #tpu.memory_space<hbm>> -> memref<1x128xi32, #tpu.memory_space<hbm>>
        %dma_wait3A_34 = tpu.memref_squeeze %dma_wait3A_33 : memref<1x128xi32, #tpu.memory_space<hbm>> -> memref<128xi32, #tpu.memory_space<hbm>>
        tpu.wait_dma2 semaphore(%run_scoped3A : memref<!tpu.dma_semaphore, #tpu.memory_space<semaphore_mem>>) src(%dma_wait3A_34 : memref<128xi32, #tpu.memory_space<hbm>>) dst(%arg7 : memref<128xi32, #tpu.memory_space<vmem>>)
        tpu.yield
      }) : () -> ()
      "tpu.region"() ({
        %run_scoped3A = tpu.sem_alloc : memref<!tpu.dma_semaphore, #tpu.memory_space<semaphore_mem>>
        %dma_start3A_23 = arith.constant 0 : i32
        %dma_start3A_24 = tpu.memref_slice %arg3[%add3A_18, %dma_start3A_23] : memref<2560x128xi32, #tpu.memory_space<hbm>> -> memref<1x128xi32, #tpu.memory_space<hbm>>
        %dma_start3A_25 = tpu.memref_squeeze %dma_start3A_24 : memref<1x128xi32, #tpu.memory_space<hbm>> -> memref<128xi32, #tpu.memory_space<hbm>>
        %dma_start3A_26 = arith.constant 0 : i32
        %dma_start3A_27 = tpu.memref_slice %arg3[%add3A_18, %dma_start3A_26] : memref<2560x128xi32, #tpu.memory_space<hbm>> -> memref<1x128xi32, #tpu.memory_space<hbm>>
        %dma_start3A_28 = tpu.memref_squeeze %dma_start3A_27 : memref<1x128xi32, #tpu.memory_space<hbm>> -> memref<128xi32, #tpu.memory_space<hbm>>
        tpu.enqueue_dma source(%dma_start3A_28 : memref<128xi32, #tpu.memory_space<hbm>>) target(%arg8 : memref<128xi32, #tpu.memory_space<vmem>>) target_semaphore(%run_scoped3A : memref<!tpu.dma_semaphore, #tpu.memory_space<semaphore_mem>>)
        %dma_wait3A_29 = arith.constant 0 : i32
        %dma_wait3A_30 = tpu.memref_slice %arg3[%add3A_18, %dma_wait3A_29] : memref<2560x128xi32, #tpu.memory_space<hbm>> -> memref<1x128xi32, #tpu.memory_space<hbm>>
        %dma_wait3A_31 = tpu.memref_squeeze %dma_wait3A_30 : memref<1x128xi32, #tpu.memory_space<hbm>> -> memref<128xi32, #tpu.memory_space<hbm>>
        %dma_wait3A_32 = arith.constant 0 : i32
        %dma_wait3A_33 = tpu.memref_slice %arg3[%add3A_18, %dma_wait3A_32] : memref<2560x128xi32, #tpu.memory_space<hbm>> -> memref<1x128xi32, #tpu.memory_space<hbm>>
        %dma_wait3A_34 = tpu.memref_squeeze %dma_wait3A_33 : memref<1x128xi32, #tpu.memory_space<hbm>> -> memref<128xi32, #tpu.memory_space<hbm>>
        tpu.wait_dma2 semaphore(%run_scoped3A : memref<!tpu.dma_semaphore, #tpu.memory_space<semaphore_mem>>) src(%dma_wait3A_34 : memref<128xi32, #tpu.memory_space<hbm>>) dst(%arg8 : memref<128xi32, #tpu.memory_space<vmem>>)
        tpu.yield
      }) : () -> ()
      %dma_start3A = arith.constant 0 : i32
      %dma_start3A_19 = arith.constant 0 : i32
      %dma_start3A_20 = tpu.memref_slice %arg4[%dma_start3A, %dma_start3A_19] : memref<10000x128xf32, #tpu.memory_space<hbm>> -> memref<10000x128xf32, #tpu.memory_space<hbm>>
      tpu.enqueue_indirect_dma source(%dma_start3A_20 : memref<10000x128xf32, #tpu.memory_space<hbm>>) target(%arg9 : memref<128x128xf32, #tpu.memory_space<vmem>>) offsets(%arg7 : memref<128xi32, #tpu.memory_space<vmem>>) semaphore(%arg11 : memref<!tpu.dma_semaphore, #tpu.memory_space<semaphore_mem>>)
      %dma_wait3A = arith.constant 0 : i32
      %dma_wait3A_21 = arith.constant 0 : i32
      %dma_wait3A_22 = tpu.memref_slice %arg4[%dma_wait3A, %dma_wait3A_21] : memref<10000x128xf32, #tpu.memory_space<hbm>> -> memref<10000x128xf32, #tpu.memory_space<hbm>>
      tpu.wait_indirect_dma semaphore(%arg11 : memref<!tpu.dma_semaphore, #tpu.memory_space<semaphore_mem>>) src(%dma_wait3A_22 : memref<10000x128xf32, #tpu.memory_space<hbm>>) dst(%arg9 : memref<128x128xf32, #tpu.memory_space<vmem>>)
      "tpu.region"() ({
        %run_scoped3A = tpu.sem_alloc : memref<!tpu.dma_semaphore, #tpu.memory_space<semaphore_mem>>
        %dma_start3A_23 = arith.constant 0 : i32
        %dma_start3A_24 = arith.constant 0 : i32
        %dma_start3A_25 = tpu.memref_slice %arg10[%dma_start3A_23, %dma_start3A_24] : memref<10240x128xf32, #tpu.memory_space<vmem_shared>> -> memref<10240x128xf32, #tpu.memory_space<vmem_shared>>
        tpu.enqueue_indirect_dma source(%arg9 : memref<128x128xf32, #tpu.memory_space<vmem>>) target(%dma_start3A_25 : memref<10240x128xf32, #tpu.memory_space<vmem_shared>>) offsets(%arg8 : memref<128xi32, #tpu.memory_space<vmem>>) semaphore(%run_scoped3A : memref<!tpu.dma_semaphore, #tpu.memory_space<semaphore_mem>>) {add = true}
        %dma_wait3A_26 = arith.constant 0 : i32
        %dma_wait3A_27 = arith.constant 0 : i32
        %dma_wait3A_28 = tpu.memref_slice %arg10[%dma_wait3A_26, %dma_wait3A_27] : memref<10240x128xf32, #tpu.memory_space<vmem_shared>> -> memref<10240x128xf32, #tpu.memory_space<vmem_shared>>
        tpu.wait_indirect_dma semaphore(%run_scoped3A : memref<!tpu.dma_semaphore, #tpu.memory_space<semaphore_mem>>) src(%arg9 : memref<128x128xf32, #tpu.memory_space<vmem>>) dst(%dma_wait3A_28 : memref<10240x128xf32, #tpu.memory_space<vmem_shared>>)
        tpu.yield
      }) : () -> ()
    }
    %scan3A_9 = arith.constant 80 : i32
    %barrier3A_10 = arith.constant 0 : index
    tpu.barrier barrier_id(%barrier3A_10)
    %mul3A_11 = arith.constant 640 : i32
    %mul3A_12 = arith.muli %arg1, %mul3A_11 : i32
    %mul3A_13 = arith.constant 640 : i32
    %mul3A_14 = arith.muli %arg1, %mul3A_13 : i32
    "tpu.region"() ({
      %run_scoped3A = tpu.sem_alloc : memref<!tpu.dma_semaphore, #tpu.memory_space<semaphore_mem>>
      %dma_start3A = arith.constant 0 : i32
      %dma_start3A_15 = tpu.memref_slice %arg6[%arg0, %mul3A_14, %dma_start3A] : memref<2x10240x128xf32, #tpu.memory_space<hbm>> -> memref<1x640x128xf32, #tpu.memory_space<hbm>>
      %dma_start3A_16 = tpu.memref_squeeze %dma_start3A_15 : memref<1x640x128xf32, #tpu.memory_space<hbm>> -> memref<640x128xf32, #tpu.memory_space<hbm>>
      %dma_start3A_17 = arith.constant 0 : i32
      %dma_start3A_18 = tpu.memref_slice %arg10[%mul3A_12, %dma_start3A_17] : memref<10240x128xf32, #tpu.memory_space<vmem_shared>> -> memref<640x128xf32, #tpu.memory_space<vmem_shared>>
      tpu.enqueue_dma source(%dma_start3A_18 : memref<640x128xf32, #tpu.memory_space<vmem_shared>>) target(%dma_start3A_16 : memref<640x128xf32, #tpu.memory_space<hbm>>) target_semaphore(%run_scoped3A : memref<!tpu.dma_semaphore, #tpu.memory_space<semaphore_mem>>)
      %dma_wait3A = arith.constant 0 : i32
      %dma_wait3A_19 = tpu.memref_slice %arg6[%arg0, %mul3A_14, %dma_wait3A] : memref<2x10240x128xf32, #tpu.memory_space<hbm>> -> memref<1x640x128xf32, #tpu.memory_space<hbm>>
      %dma_wait3A_20 = tpu.memref_squeeze %dma_wait3A_19 : memref<1x640x128xf32, #tpu.memory_space<hbm>> -> memref<640x128xf32, #tpu.memory_space<hbm>>
      %dma_wait3A_21 = arith.constant 0 : i32
      %dma_wait3A_22 = tpu.memref_slice %arg10[%mul3A_12, %dma_wait3A_21] : memref<10240x128xf32, #tpu.memory_space<vmem_shared>> -> memref<640x128xf32, #tpu.memory_space<vmem_shared>>
      tpu.wait_dma2 semaphore(%run_scoped3A : memref<!tpu.dma_semaphore, #tpu.memory_space<semaphore_mem>>) src(%dma_wait3A_22 : memref<640x128xf32, #tpu.memory_space<vmem_shared>>) dst(%dma_wait3A_20 : memref<640x128xf32, #tpu.memory_space<hbm>>)
      tpu.yield
    }) : () -> ()
    return
  }
}

module attributes {stable_mosaic.version = 14 : i64} {
  func.func @tc1_body(%arg0: i32, %arg1: memref<400x128xf32, #tpu.memory_space<vmem>>, %arg2: memref<128x300xf32, #tpu.memory_space<vmem>>, %arg3: memref<300xf32, #tpu.memory_space<vmem>>, %arg4: memref<300x128xf32, #tpu.memory_space<vmem>>, %arg5: memref<400x1xf32, #tpu.memory_space<vmem>>, %arg6: memref<400x1xf32, #tpu.memory_space<vmem>>, %arg7: memref<400x128xf32, #tpu.memory_space<vmem>>, %arg8: memref<400x1xf32, #tpu.memory_space<vmem>>) attributes {dimension_semantics = [#tpu.dimension_semantics<arbitrary>], iteration_bounds = array<i64: 25>, scalar_prefetch = 0 : i64, scratch_operands = 0 : i64, tpu.core_type = #tpu.core_type<tc>, window_params = [{transform_indices = @transform_0, window_bounds = array<i64: 400, 128>}, {pipeline_mode = #tpu.pipeline_mode<synchronous>, transform_indices = @transform_1, window_bounds = array<i64: 128, 300>}, {pipeline_mode = #tpu.pipeline_mode<synchronous>, transform_indices = @transform_2, window_bounds = array<i64: 300>}, {pipeline_mode = #tpu.pipeline_mode<synchronous>, transform_indices = @transform_3, window_bounds = array<i64: 300, 128>}, {transform_indices = @transform_4, window_bounds = array<i64: 400, 1>}, {transform_indices = @transform_5, window_bounds = array<i64: 400, 1>}, {transform_indices = @transform_6, window_bounds = array<i64: 400, 128>}, {transform_indices = @transform_7, window_bounds = array<i64: 400, 1>}]} {
    %get3A = arith.constant 0 : index
    %get3A_0 = arith.constant 0 : index
    %get3A_1 = vector.load %arg1[%get3A, %get3A_0] : memref<400x128xf32, #tpu.memory_space<vmem>>, vector<400x128xf32>
    %get3A_2 = arith.constant 0 : index
    %get3A_3 = arith.constant 0 : index
    %get3A_4 = vector.load %arg2[%get3A_2, %get3A_3] : memref<128x300xf32, #tpu.memory_space<vmem>>, vector<128x300xf32>
    %dot_general3A = arith.constant dense<0.000000e+00> : vector<400x300xf32>
    %dot_general3A_5 = tpu.matmul %get3A_1, %get3A_4, %dot_general3A {dimension_numbers = #tpu.dot_dimension_numbers<[1], [0], [0], [1], [0, 0, 1, 1], [], []>, transpose_lhs_hint = false} : vector<400x128xf32>, vector<128x300xf32>, vector<400x300xf32> -> vector<400x300xf32>
    %get3A_6 = arith.constant 0 : index
    %get3A_7 = vector.load %arg3[%get3A_6] : memref<300xf32, #tpu.memory_space<vmem>>, vector<300xf32>
    %broadcast_in_dim3A = vector.shape_cast %get3A_7 : vector<300xf32> to vector<1x300xf32>
    %add3A = vector.broadcast %broadcast_in_dim3A : vector<1x300xf32> to vector<400x300xf32>
    %add3A_8 = arith.addf %dot_general3A_5, %add3A : vector<400x300xf32>
    %max3A = arith.constant 0.000000e+00 : f32
    %max3A_9 = vector.broadcast %max3A : f32 to vector<400x300xf32>
    %max3A_10 = arith.maximumf %add3A_8, %max3A_9 : vector<400x300xf32>
    %get3A_11 = arith.constant 0 : index
    %get3A_12 = arith.constant 0 : index
    %get3A_13 = vector.load %arg4[%get3A_11, %get3A_12] : memref<300x128xf32, #tpu.memory_space<vmem>>, vector<300x128xf32>
    %dot_general3A_14 = arith.constant dense<0.000000e+00> : vector<400x128xf32>
    %dot_general3A_15 = tpu.matmul %max3A_10, %get3A_13, %dot_general3A_14 {dimension_numbers = #tpu.dot_dimension_numbers<[1], [0], [0], [1], [0, 0, 1, 1], [], []>, transpose_lhs_hint = false} : vector<400x300xf32>, vector<300x128xf32>, vector<400x128xf32> -> vector<400x128xf32>
    %get3A_16 = arith.constant 0 : index
    %get3A_17 = arith.constant 0 : index
    %get3A_18 = vector.load %arg5[%get3A_16, %get3A_17] : memref<400x1xf32, #tpu.memory_space<vmem>>, vector<400x1xf32>
    %get3A_19 = arith.constant 0 : index
    %get3A_20 = arith.constant 0 : index
    %get3A_21 = vector.load %arg6[%get3A_19, %get3A_20] : memref<400x1xf32, #tpu.memory_space<vmem>>, vector<400x1xf32>
    %add3A_22 = arith.addf %get3A_18, %get3A_21 : vector<400x1xf32>
    %add3A_23 = arith.constant 1.000000e+00 : f32
    %add3A_24 = vector.broadcast %add3A_23 : f32 to vector<400x1xf32>
    %add3A_25 = arith.addf %add3A_22, %add3A_24 : vector<400x1xf32>
    %rsqrt3A = math.rsqrt %add3A_25 : vector<400x1xf32>
    %mul3A = vector.broadcast %rsqrt3A : vector<400x1xf32> to vector<400x128xf32>
    %mul3A_26 = arith.mulf %dot_general3A_15, %mul3A : vector<400x128xf32>
    %swap3A = arith.constant 0 : index
    %swap3A_27 = arith.constant 0 : index
    %swap3A_28 = vector.load %arg7[%swap3A, %swap3A_27] : memref<400x128xf32, #tpu.memory_space<vmem>>, vector<400x128xf32>
    tpu.vector_store %arg7[%swap3A, %swap3A_27], %mul3A_26 {strides = array<i32>} : memref<400x128xf32, #tpu.memory_space<vmem>>, vector<400x128xf32>,
    %swap3A_29 = arith.constant 0 : index
    %swap3A_30 = arith.constant 0 : index
    %swap3A_31 = vector.load %arg8[%swap3A_29, %swap3A_30] : memref<400x1xf32, #tpu.memory_space<vmem>>, vector<400x1xf32>
    tpu.vector_store %arg8[%swap3A_29, %swap3A_30], %rsqrt3A {strides = array<i32>} : memref<400x1xf32, #tpu.memory_space<vmem>>, vector<400x1xf32>,
    return
  }
  func.func @transform_0(%arg0: i32) -> (i32, i32) {
    %c0_i32 = arith.constant 0 : i32
    %c0_i32_0 = arith.constant 0 : i32
    return %arg0, %c0_i32 : i32, i32
  }
  func.func @transform_1(%arg0: i32) -> (i32, i32) {
    %c0_i32 = arith.constant 0 : i32
    %c0_i32_0 = arith.constant 0 : i32
    %c0_i32_1 = arith.constant 0 : i32
    return %c0_i32, %c0_i32_0 : i32, i32
  }
  func.func @transform_2(%arg0: i32) -> i32 {
    %c0_i32 = arith.constant 0 : i32
    %c0_i32_0 = arith.constant 0 : i32
    return %c0_i32 : i32
  }
  func.func @transform_3(%arg0: i32) -> (i32, i32) {
    %c0_i32 = arith.constant 0 : i32
    %c0_i32_0 = arith.constant 0 : i32
    %c0_i32_1 = arith.constant 0 : i32
    return %c0_i32, %c0_i32_0 : i32, i32
  }
  func.func @transform_4(%arg0: i32) -> (i32, i32) {
    %c0_i32 = arith.constant 0 : i32
    %c0_i32_0 = arith.constant 0 : i32
    return %arg0, %c0_i32 : i32, i32
  }
  func.func @transform_5(%arg0: i32) -> (i32, i32) {
    %c0_i32 = arith.constant 0 : i32
    %c0_i32_0 = arith.constant 0 : i32
    return %arg0, %c0_i32 : i32, i32
  }
  func.func @transform_6(%arg0: i32) -> (i32, i32) {
    %c0_i32 = arith.constant 0 : i32
    %c0_i32_0 = arith.constant 0 : i32
    return %arg0, %c0_i32 : i32, i32
  }
  func.func @transform_7(%arg0: i32) -> (i32, i32) {
    %c0_i32 = arith.constant 0 : i32
    %c0_i32_0 = arith.constant 0 : i32
    return %arg0, %c0_i32 : i32, i32
  }
}

module attributes {stable_mosaic.version = 14 : i64} {
  func.func @tc2_body(%arg0: i32, %arg1: memref<2x400x128xf32, #tpu.memory_space<vmem>>, %arg2: memref<400x128xf32, #tpu.memory_space<vmem>>, %arg3: memref<400x1xf32, #tpu.memory_space<vmem>>, %arg4: memref<128xf32, #tpu.memory_space<vmem>>, %arg5: memref<128x128xf32, #tpu.memory_space<vmem>>, %arg6: memref<400x128xf32, #tpu.memory_space<vmem>>) attributes {dimension_semantics = [#tpu.dimension_semantics<arbitrary>], iteration_bounds = array<i64: 25>, scalar_prefetch = 0 : i64, scratch_operands = 0 : i64, tpu.core_type = #tpu.core_type<tc>, window_params = [{transform_indices = @transform_0, window_bounds = array<i64: 2, 400, 128>}, {transform_indices = @transform_1, window_bounds = array<i64: 400, 128>}, {transform_indices = @transform_2, window_bounds = array<i64: 400, 1>}, {pipeline_mode = #tpu.pipeline_mode<synchronous>, transform_indices = @transform_3, window_bounds = array<i64: 128>}, {pipeline_mode = #tpu.pipeline_mode<synchronous>, transform_indices = @transform_4, window_bounds = array<i64: 128, 128>}, {transform_indices = @transform_5, window_bounds = array<i64: 400, 128>}]} {
    %get3A = arith.constant 0 : index
    %get3A_0 = arith.constant 0 : index
    %get3A_1 = arith.constant 0 : index
    %get3A_2 = vector.load %arg1[%get3A, %get3A_0, %get3A_1] : memref<2x400x128xf32, #tpu.memory_space<vmem>>, vector<2x400x128xf32>
    %get3A_3 = arith.constant 0 : index
    %get3A_4 = arith.constant 0 : index
    %get3A_5 = vector.load %arg3[%get3A_3, %get3A_4] : memref<400x1xf32, #tpu.memory_space<vmem>>, vector<400x1xf32>
    %slice3A = vector.extract_strided_slice %get3A_2 {offsets = [0, 0, 0], sizes = [1, 400, 128], strides = [1, 1, 1]} : vector<2x400x128xf32> to vector<1x400x128xf32>
    %squeeze3A = vector.shape_cast %slice3A : vector<1x400x128xf32> to vector<400x128xf32>
    %slice3A_6 = vector.extract_strided_slice %get3A_2 {offsets = [1, 0, 0], sizes = [1, 400, 128], strides = [1, 1, 1]} : vector<2x400x128xf32> to vector<1x400x128xf32>
    %squeeze3A_7 = vector.shape_cast %slice3A_6 : vector<1x400x128xf32> to vector<400x128xf32>
    %add3A = arith.addf %squeeze3A, %squeeze3A_7 : vector<400x128xf32>
    %get3A_8 = arith.constant 0 : index
    %get3A_9 = arith.constant 0 : index
    %get3A_10 = vector.load %arg2[%get3A_8, %get3A_9] : memref<400x128xf32, #tpu.memory_space<vmem>>, vector<400x128xf32>
    %add3A_11 = arith.addf %add3A, %get3A_10 : vector<400x128xf32>
    %mul3A = vector.broadcast %get3A_5 : vector<400x1xf32> to vector<400x128xf32>
    %mul3A_12 = arith.mulf %add3A_11, %mul3A : vector<400x128xf32>
    %get3A_13 = arith.constant 0 : index
    %get3A_14 = vector.load %arg4[%get3A_13] : memref<128xf32, #tpu.memory_space<vmem>>, vector<128xf32>
    %broadcast_in_dim3A = vector.shape_cast %get3A_14 : vector<128xf32> to vector<1x128xf32>
    %add3A_15 = vector.broadcast %broadcast_in_dim3A : vector<1x128xf32> to vector<400x128xf32>
    %add3A_16 = arith.addf %mul3A_12, %add3A_15 : vector<400x128xf32>
    %max3A = arith.constant 0.000000e+00 : f32
    %max3A_17 = vector.broadcast %max3A : f32 to vector<400x128xf32>
    %max3A_18 = arith.maximumf %add3A_16, %max3A_17 : vector<400x128xf32>
    %get3A_19 = arith.constant 0 : index
    %get3A_20 = arith.constant 0 : index
    %get3A_21 = vector.load %arg5[%get3A_19, %get3A_20] : memref<128x128xf32, #tpu.memory_space<vmem>>, vector<128x128xf32>
    %dot_general3A = arith.constant dense<0.000000e+00> : vector<400x128xf32>
    %dot_general3A_22 = tpu.matmul %max3A_18, %get3A_21, %dot_general3A {dimension_numbers = #tpu.dot_dimension_numbers<[1], [0], [0], [1], [0, 0, 1, 1], [], []>, transpose_lhs_hint = false} : vector<400x128xf32>, vector<128x128xf32>, vector<400x128xf32> -> vector<400x128xf32>
    %mul3A_23 = vector.broadcast %get3A_5 : vector<400x1xf32> to vector<400x128xf32>
    %mul3A_24 = arith.mulf %dot_general3A_22, %mul3A_23 : vector<400x128xf32>
    %swap3A = arith.constant 0 : index
    %swap3A_25 = arith.constant 0 : index
    %swap3A_26 = vector.load %arg6[%swap3A, %swap3A_25] : memref<400x128xf32, #tpu.memory_space<vmem>>, vector<400x128xf32>
    tpu.vector_store %arg6[%swap3A, %swap3A_25], %mul3A_24 {strides = array<i32>} : memref<400x128xf32, #tpu.memory_space<vmem>>, vector<400x128xf32>,
    return
  }
  func.func @transform_0(%arg0: i32) -> (i32, i32, i32) {
    %c0_i32 = arith.constant 0 : i32
    %c0_i32_0 = arith.constant 0 : i32
    %c0_i32_1 = arith.constant 0 : i32
    return %c0_i32, %arg0, %c0_i32_0 : i32, i32, i32
  }
  func.func @transform_1(%arg0: i32) -> (i32, i32) {
    %c0_i32 = arith.constant 0 : i32
    %c0_i32_0 = arith.constant 0 : i32
    return %arg0, %c0_i32 : i32, i32
  }
  func.func @transform_2(%arg0: i32) -> (i32, i32) {
    %c0_i32 = arith.constant 0 : i32
    %c0_i32_0 = arith.constant 0 : i32
    return %arg0, %c0_i32 : i32, i32
  }
  func.func @transform_3(%arg0: i32) -> i32 {
    %c0_i32 = arith.constant 0 : i32
    %c0_i32_0 = arith.constant 0 : i32
    return %c0_i32 : i32
  }
  func.func @transform_4(%arg0: i32) -> (i32, i32) {
    %c0_i32 = arith.constant 0 : i32
    %c0_i32_0 = arith.constant 0 : i32
    %c0_i32_1 = arith.constant 0 : i32
    return %c0_i32, %c0_i32_0 : i32, i32
  }
  func.func @transform_5(%arg0: i32) -> (i32, i32) {
    %c0_i32 = arith.constant 0 : i32
    %c0_i32_0 = arith.constant 0 : i32
    return %arg0, %c0_i32 : i32, i32
  }
}

module attributes {stable_mosaic.version = 14 : i64} {
  func.func @tc3_body(%arg0: i32, %arg1: memref<2x400x128xf32, #tpu.memory_space<vmem>>, %arg2: memref<400x128xf32, #tpu.memory_space<vmem>>, %arg3: memref<400x1xf32, #tpu.memory_space<vmem>>, %arg4: memref<16xf32, #tpu.memory_space<vmem>>, %arg5: memref<400x16xf32, #tpu.memory_space<vmem>>) attributes {dimension_semantics = [#tpu.dimension_semantics<arbitrary>], iteration_bounds = array<i64: 25>, scalar_prefetch = 0 : i64, scratch_operands = 0 : i64, tpu.core_type = #tpu.core_type<tc>, window_params = [{transform_indices = @transform_0, window_bounds = array<i64: 2, 400, 128>}, {transform_indices = @transform_1, window_bounds = array<i64: 400, 128>}, {transform_indices = @transform_2, window_bounds = array<i64: 400, 1>}, {pipeline_mode = #tpu.pipeline_mode<synchronous>, transform_indices = @transform_3, window_bounds = array<i64: 16>}, {transform_indices = @transform_4, window_bounds = array<i64: 400, 16>}]} {
    %get3A = arith.constant 0 : index
    %get3A_0 = arith.constant 0 : index
    %get3A_1 = arith.constant 0 : index
    %get3A_2 = vector.load %arg1[%get3A, %get3A_0, %get3A_1] : memref<2x400x128xf32, #tpu.memory_space<vmem>>, vector<2x400x128xf32>
    %slice3A = vector.extract_strided_slice %get3A_2 {offsets = [0, 0, 0], sizes = [1, 400, 128], strides = [1, 1, 1]} : vector<2x400x128xf32> to vector<1x400x128xf32>
    %squeeze3A = vector.shape_cast %slice3A : vector<1x400x128xf32> to vector<400x128xf32>
    %slice3A_3 = vector.extract_strided_slice %get3A_2 {offsets = [1, 0, 0], sizes = [1, 400, 128], strides = [1, 1, 1]} : vector<2x400x128xf32> to vector<1x400x128xf32>
    %squeeze3A_4 = vector.shape_cast %slice3A_3 : vector<1x400x128xf32> to vector<400x128xf32>
    %add3A = arith.addf %squeeze3A, %squeeze3A_4 : vector<400x128xf32>
    %get3A_5 = arith.constant 0 : index
    %get3A_6 = arith.constant 0 : index
    %get3A_7 = vector.load %arg2[%get3A_5, %get3A_6] : memref<400x128xf32, #tpu.memory_space<vmem>>, vector<400x128xf32>
    %add3A_8 = arith.addf %add3A, %get3A_7 : vector<400x128xf32>
    %slice3A_9 = vector.extract_strided_slice %add3A_8 {offsets = [0, 0], sizes = [400, 16], strides = [1, 1]} : vector<400x128xf32> to vector<400x16xf32>
    %get3A_10 = arith.constant 0 : index
    %get3A_11 = arith.constant 0 : index
    %get3A_12 = vector.load %arg3[%get3A_10, %get3A_11] : memref<400x1xf32, #tpu.memory_space<vmem>>, vector<400x1xf32>
    %mul3A = vector.broadcast %get3A_12 : vector<400x1xf32> to vector<400x16xf32>
    %mul3A_13 = arith.mulf %slice3A_9, %mul3A : vector<400x16xf32>
    %get3A_14 = arith.constant 0 : index
    %get3A_15 = vector.load %arg4[%get3A_14] : memref<16xf32, #tpu.memory_space<vmem>>, vector<16xf32>
    %broadcast_in_dim3A = vector.shape_cast %get3A_15 : vector<16xf32> to vector<1x16xf32>
    %add3A_16 = vector.broadcast %broadcast_in_dim3A : vector<1x16xf32> to vector<400x16xf32>
    %add3A_17 = arith.addf %mul3A_13, %add3A_16 : vector<400x16xf32>
    %reduce_max3A = arith.constant dense<0xFF800000> : vector<400xf32>
    %reduce_max3A_18 = vector.multi_reduction <maximumf>, %add3A_17, %reduce_max3A [1] : vector<400x16xf32> to vector<400xf32>
    %broadcast_in_dim3A_19 = vector.shape_cast %reduce_max3A_18 : vector<400xf32> to vector<400x1xf32>
    %sub3A = vector.broadcast %broadcast_in_dim3A_19 : vector<400x1xf32> to vector<400x16xf32>
    %sub3A_20 = arith.subf %add3A_17, %sub3A : vector<400x16xf32>
    %exp3A = math.exp %sub3A_20 : vector<400x16xf32>
    %reduce_sum3A = arith.constant dense<0.000000e+00> : vector<400xf32>
    %reduce_sum3A_21 = vector.multi_reduction <add>, %exp3A, %reduce_sum3A [1] : vector<400x16xf32> to vector<400xf32>
    %broadcast_in_dim3A_22 = vector.shape_cast %reduce_sum3A_21 : vector<400xf32> to vector<400x1xf32>
    %log3A = math.log %broadcast_in_dim3A_22 : vector<400x1xf32>
    %sub3A_23 = vector.broadcast %broadcast_in_dim3A_19 : vector<400x1xf32> to vector<400x16xf32>
    %sub3A_24 = arith.subf %add3A_17, %sub3A_23 : vector<400x16xf32>
    %sub3A_25 = vector.broadcast %log3A : vector<400x1xf32> to vector<400x16xf32>
    %sub3A_26 = arith.subf %sub3A_24, %sub3A_25 : vector<400x16xf32>
    %swap3A = arith.constant 0 : index
    %swap3A_27 = arith.constant 0 : index
    %swap3A_28 = vector.load %arg5[%swap3A, %swap3A_27] : memref<400x16xf32, #tpu.memory_space<vmem>>, vector<400x16xf32>
    tpu.vector_store %arg5[%swap3A, %swap3A_27], %sub3A_26 {strides = array<i32>} : memref<400x16xf32, #tpu.memory_space<vmem>>, vector<400x16xf32>,
    return
  }
  func.func @transform_0(%arg0: i32) -> (i32, i32, i32) {
    %c0_i32 = arith.constant 0 : i32
    %c0_i32_0 = arith.constant 0 : i32
    %c0_i32_1 = arith.constant 0 : i32
    return %c0_i32, %arg0, %c0_i32_0 : i32, i32, i32
  }
  func.func @transform_1(%arg0: i32) -> (i32, i32) {
    %c0_i32 = arith.constant 0 : i32
    %c0_i32_0 = arith.constant 0 : i32
    return %arg0, %c0_i32 : i32, i32
  }
  func.func @transform_2(%arg0: i32) -> (i32, i32) {
    %c0_i32 = arith.constant 0 : i32
    %c0_i32_0 = arith.constant 0 : i32
    return %arg0, %c0_i32 : i32, i32
  }
  func.func @transform_3(%arg0: i32) -> i32 {
    %c0_i32 = arith.constant 0 : i32
    %c0_i32_0 = arith.constant 0 : i32
    return %c0_i32 : i32
  }
  func.func @transform_4(%arg0: i32) -> (i32, i32) {
    %c0_i32 = arith.constant 0 : i32
    %c0_i32_0 = arith.constant 0 : i32
    return %arg0, %c0_i32 : i32, i32
  }
}

</mosaic_0001>

<sc_bundles>
// kernel: kernel.11.cloned.1.call-start
scs
__scs_entry_jumppad:
0x0: {  	(pc) =	sbr.rel $0x88, $3  }
0x1: {  	(tag) =	ssettag $0x0;
	lr =	simm.s32 $0x1  }
0x2: {  	[smem:$0x3F99] =	sst lr;
	_ =	strace $0xD0000000  }
0x3: {  	_ = 	snop  }
0x4: {  	_ = 	snop  }
0x5: {  	_ = 	snop  }
0x6: {  	_ = 	snop  }
0x7: {  	_ = 	snop  }
__scs_overlays_trampoline_lowered:
0x8: {  	[smem:$0x3FA8] =	sst s0  }
0x9: {  	[smem:$0x3FA9] =	sst s1  }
0xa: {  	[smem:$0x3FAA] =	sst s2  }
0xb: {  	[smem:$0x3FAB] =	sst s3  }
0xc: {  	[smem:$0x3FAC] =	sst s4  }
0xd: {  	[smem:$0x3FAD] =	sst s5  }
0xe: {  	[smem:$0x3FAE] =	sst s6  }
0xf: {  	[smem:$0x3FAF] =	sst s7  }
0x10: {  	[smem:$0x3FB0] =	sst s8  }
0x11: {  	[smem:$0x3FB1] =	sst s9;
	s0 =	simm.s32 @!p0 $0x0  }
0x12: {  	s1 =	sld [smem:$0x3F97];
	s0 =	simm.s32 @p0 $0x1  }
0x13: {  	[smem:$0x3FB2] =	sst s0;
	s0 =	simm.s32 @!p1 $0x0  }
0x14: {  	s2 =	sld [smem:$0x3F96];
	s0 =	simm.s32 @p1 $0x1  }
0x15: {  	[smem:$0x3FB3] =	sst s0;
	s0 =	simm.s32 @!p2 $0x0  }
0x16: {  	s3 =	sld [smem:$0x3FDB];
	s0 =	simm.s32 @p2 $0x1  }
0x17: {  	s4 =	simm.s32 $0x1BF5;
	[smem:$0x3FB5] =	sst s0  }
0x18: {  	s0 =	sld [smem:$0x3F98];
	_ =	swait.ge [sflag:s4], $0x0  }
0x19: {  	s7 =	sld [smem:$0x3F99]  }
0x1a: {  	s8 =	sadd.s32 $0xFFFFE003, lr  }
0x1b: {  	s9 =	sadd.s32 $0xFFFFFEF7, lr;
	s5 =	simm.s32 $0xFFFFFFFF;
	p2 =	slt.u32 s8, $0xFFFFF086  }
0x1c: {  	p1 =	slt.u32 s9, $0xF7A;
	s5 =	simm.s32 @!p2 $0x0  }
0x1d: {  	s5 =	simm.s32 @p1 $0x1;
	p0 =	seq.s32 s7, s2  }
0x1e: {  	s7 =	smul.u32 @!p0 $0xF7A, s2;
	p2 =	seq.s32 @!p0 s5, $0x0  }
0x1f: {  	s9 =	smul.u32 $0xF7A, s1;
	s8 =	simm.s32 @!p0 $0x1BF5;
	p2 =	por !p2, p0  }
0x20: {  	[sflag:s8] =	ssyncset.s32 @!p0 $0xFFFFF086;
	s6 =	sadd.s32 @!p0 s3, s7;
	s7 =	simm.s32 @!p0 $0x108  }
0x21: {  	s3 =	sadd.s32 s3, s9;
	s6 =	sadd.s32 @!p0 $0x88, s6;
	s7 =	simm.s32 @p2 $0x1082  }
0x22: {  	[simem:s7], [sflag:s8] =	dma.local @!p0 [hbm:s6], $0xF7A  }
0x23: {  	s9 =	sor.u32 $0xD0000000, s2;
	s6 =	simm.s32 $0x108;
	_ =	swait.ge @!p0 [sflag:s8], $0x0  }
0x24: {  	s3 =	sadd.s32 $0x88, s3;
	s6 =	simm.s32 @!p1 $0x1082;
	[sflag:s4] =	ssyncset.s32 $0xFFFFF086  }
0x25: {  	[simem:s6], [sflag:s4] =	dma.local [hbm:s3], $0xF7A  }
0x26: {  	[smem:$0x3F99] =	sst s1;
	(tag) =	ssettag s2;
	_ =	strace s9  }
0x27: {  	s1 =	sld [smem:$0x3FA9]  }
0x28: {  	s2 =	sld [smem:$0x3FAA]  }
0x29: {  	s4 =	sld [smem:$0x3FAC]  }
0x2a: {  	p0 =	seq.s32 s5, $0x0;
	s5 =	sld [smem:$0x3FAD]  }
0x2b: {  	s6 =	sld [smem:$0x3FAE]  }
0x2c: {  	s7 =	sld [smem:$0x3FAF]  }
0x2d: {  	s3 =	simm.s32 $0x108;
	s8 =	sld [smem:$0x3FB0]  }
0x2e: {  	s3 =	simm.s32 @!p0 $0x1082;
	s9 =	sld [smem:$0x3FB1]  }
0x2f: {  	lr =	sadd.s32 s0, s3;
	s0 =	sld [smem:$0x3FA8]  }
0x30: {  	s3 =	sld [smem:$0x3FAB]  }
0x31: {  	[smem:$0x3FB4] =	sst s10  }
0x32: {  	s10 =	sld [smem:$0x3FB2];
	_ =	sdelay $0x3  }
0x33: {  	p0 =	seq.s32 s10, $0x1;
	s10 =	sld [smem:$0x3FB4];
	_ =	sdelay $0x3  }
0x34: {  	[smem:$0x3FB4] =	sst s10  }
0x35: {  	s10 =	sld [smem:$0x3FB3];
	_ =	sdelay $0x3  }
0x36: {  	p1 =	seq.s32 s10, $0x1;
	s10 =	sld [smem:$0x3FB4];
	_ =	sdelay $0x3  }
0x37: {  	[smem:$0x3FB4] =	sst s10  }
0x38: {  	s10 =	sld [smem:$0x3FB5]  }
0x39: {  	_ = 	snop;
	(pc) =	sbr.ind lr, $3  }
0x3a: {  	_ = 	snop  }
0x3b: {  	_ = 	snop  }
0x3c: {  	p2 =	seq.s32 s10, $0x1;
	s10 =	sld [smem:$0x3FB4]  }
0x3d: {  	_ =	shalt  }
0x3e: {  	_ =	shalt  }
0x3f: {  	_ =	shalt  }
0x40: {  	_ =	shalt  }
0x41: {  	_ =	shalt  }
0x42: {  	_ =	shalt  }
0x43: {  	_ =	shalt  }
0x44: {  	_ =	shalt  }
0x45: {  	_ =	shalt  }
0x46: {  	_ =	shalt  }
0x47: {  	_ =	shalt  }
0x48: {  	_ =	shalt  }
0x49: {  	_ =	shalt  }
0x4a: {  	_ =	shalt  }
0x4b: {  	_ =	shalt  }
0x4c: {  	_ =	shalt  }
0x4d: {  	_ =	shalt  }
0x4e: {  	_ =	shalt  }
0x4f: {  	_ =	shalt  }
0x50: {  	_ =	shalt  }
0x51: {  	_ =	shalt  }
0x52: {  	_ =	shalt  }
0x53: {  	_ =	shalt  }
0x54: {  	_ =	shalt  }
0x55: {  	_ =	shalt  }
0x56: {  	_ =	shalt  }
0x57: {  	_ =	shalt  }
0x58: {  	_ =	shalt  }
0x59: {  	_ =	shalt  }
0x5a: {  	_ =	shalt  }
0x5b: {  	_ =	shalt  }
0x5c: {  	_ =	shalt  }
0x5d: {  	_ =	shalt  }
0x5e: {  	_ =	shalt  }
0x5f: {  	_ =	shalt  }
0x60: {  	_ =	shalt  }
0x61: {  	_ =	shalt  }
0x62: {  	_ =	shalt  }
0x63: {  	_ =	shalt  }
0x64: {  	_ =	shalt  }
0x65: {  	_ =	shalt  }
0x66: {  	_ =	shalt  }
0x67: {  	_ =	shalt  }
0x68: {  	_ =	shalt  }
0x69: {  	_ =	shalt  }
0x6a: {  	_ =	shalt  }
0x6b: {  	_ =	shalt  }
0x6c: {  	_ =	shalt  }
0x6d: {  	_ =	shalt  }
0x6e: {  	_ =	shalt  }
0x6f: {  	_ =	shalt  }
0x70: {  	_ =	shalt  }
0x71: {  	_ =	shalt  }
0x72: {  	_ =	shalt  }
0x73: {  	_ =	shalt  }
0x74: {  	_ =	shalt  }
0x75: {  	_ =	shalt  }
0x76: {  	_ =	shalt  }
0x77: {  	_ =	shalt  }
0x78: {  	_ =	shalt  }
0x79: {  	_ =	shalt  }
0x7a: {  	_ =	shalt  }
0x7b: {  	_ =	shalt  }
0x7c: {  	_ =	shalt  }
0x7d: {  	_ =	shalt  }
0x7e: {  	_ =	shalt  }
0x7f: {  	_ =	shalt  }
0x80: {  	_ =	shalt  }
0x81: {  	_ =	shalt  }
0x82: {  	_ =	shalt  }
0x83: {  	_ =	shalt  }
0x84: {  	_ =	shalt  }
0x85: {  	_ =	shalt  }
0x86: {  	_ =	shalt  }
0x87: {  	_ =	shalt  }
.Lfunc_end0:
.L_simem_size_0:
called_computation.1_lowered:
.L_overlay_start_0:
0x88: {  	s2 =	sld [smem:$0x3FD9]  }
0x89: {  	s3 =	sld [smem:$0x3FFE];
	_ =	sdelay $0x1  }
0x8a: {  	s1 =	srdreg.scid  }
0x8b: {  	s0 =	sand.u32 $0x1, s1  }
0x8c: {  	s16 =	sshll.u32 s0, $0xA;
	s2 =	sadd.s32 s3, s2  }
0x8d: {  	s2 =	sadd.s32 s2, s16  }
0x8e: {  	[smem:$0x3FC0] =	sst s2  }
0x8f: {  	_ = 	snop  }
0x90: {  	(tm) =	ssettm $0x1  }
0x91: {  	s17 =	sld [smem:$0x3FFB];
	_ =	sdelay $0x3  }
0x92: {  	_ =	strace s17  }
0x93: {  	s2 =	sld [smem:$0x3FFC];
	_ =	sdelay $0x3  }
0x94: {  	_ =	strace s2  }
0x95: {  	s2 =	sld [smem:$0x3FFD];
	_ =	sdelay $0x3  }
0x96: {  	_ =	strace s2  }
0x97: {  	_ =	strace $0x8FFFFFFF  }
0x98: {  	s18 =	sld [smem:$0x3FDB];
	_ =	sdelay $0x1  }
0x99: {  	s19 =	simm.s32 $_scs_section_size  }
0x9a: {  	s4 =	simm.s32 $_size__tile_overlayer_lowered;
	s5 =	simm.s32 $_tile_overlayer_lowered  }
0x9b: {  	s22 =	simm.s32 $0x1BFF;
	s21 =	sshll.u32 s5, $0x1;
	s2 =	sadd.s32 s19, s18  }
0x9c: {  	s6 =	simm.s32 $0x0;
	s20 =	sshll.u32 s4, $0x1;
	s4 =	sadd.s32 s21, s2  }
0x9d: {  	[timem:s6], [sflag:s22] =	dma.local [hbm:s4], s20  }
0x9e: {  	_ =	swait.ge [sflag:s22], s20  }
0x9f: {  	s3 =	ssub.s32 $0x0, s20;
	[sflag:s22] =	ssyncset.done $0x0  }
0xa0: {  	[sflag:s22] =	ssyncadd.s32 s3;
	_ =	sdelay $0x1  }
0xa1: {  	s23 =	simm.s32 $0x1B8B  }
0xa2: {  	_ =	swait.ge [sflag:s23], $0x1  }
0xa3: {  	[sflag:s23] =	ssyncset.done $0x0  }
0xa4: {  	s25 =	simm.s32 $0x1B8E;
	s24 =	sld [smem:$0x3FFE];
	[sflag:s23] =	ssyncadd.s32 $0xFFFFFFFF  }
0xa5: {  	s26 =	simm.s32 $execute0_lowered;
	[smem:$0x3FD2] =	sst s25  }
0xa6: {  	s4 =	sshll.u32 s26, $0x1;
	_ =	strace $0x80000049;
	[dreg:$0x1] =	wrdreg $0xFFFFFFFF  }
0xa7: {  	s28 =	simm.s32 $_size_execute0_lowered;
	s2 =	sadd.s32 s2, s4;
	[dreg:$0x0] =	wrdreg $0x0  }
0xa8: {  	s4 =	sshll.u32 s28, $0x1;
	[dreg:$0x2] =	wrdreg s2  }
0xa9: {  	[dreg:$0x3] =	wrdreg s4  }
0xaa: {  	[dreg:$0x4] =	wrdreg $0xC0  }
0xab: {  	_ =	task [dreg:s6], $0x5FFFF  }
0xac: {  	[dreg:$0x1] =	wrdreg $0xFFFFFFFF  }
0xad: {  	[dreg:$0x0] =	wrdreg $0x60  }
0xae: {  	[dreg:$0x2] =	wrdreg s24  }
0xaf: {  	[dreg:$0x3] =	wrdreg $0x41000  }
0xb0: {  	[dreg:$0x4] =	wrdreg $0x9  }
0xb1: {  	_ =	task.clear_ibuf [dreg:s6], $0x5FFFF;
	_ =	strace $0x90000049  }
0xb2: {  	s29 =	simm.s32 $0x9;
	_ =	strace $0x8000004B  }
0xb3: {  	_ =	swait.ge [sflag:s29], $0x1  }
0xb4: {  	[sflag:s29] =	ssyncadd.s32 $0xFFFFFFFF  }
0xb5: {  	_ =	strace $0x9000004B  }
0xb6: {  	_ =	sfence  }
0xb7: {  	s30 =	sld [smem:$0x0];
	_ =	sdelay $0x2  }
0xb8: {  	s31 =	sshll.u32 s1, $0xD;
	s1 =	sshrl.u32 s1, $0x2  }
0xb9: {  	s3 =	sand.u32 $0x4000, s31;
	s1 =	sadd.s32 s1, s30  }
0xba: {  	s0 =	sor.u32 s3, s0;
	s1 =	sshll.u32 s1, $0x11  }
0xbb: {  	s0 =	sor.u32 s1, s0  }
0xbc: {  	s0 =	sadd.s32 $0x8F2B, s0  }
0xbd: {  	[sflag:s0] =	ssyncadd.remote.s32 $0x1  }
0xbe: {  	_ =	sfence.sel $0xFFFF  }
0xbf: {  	[dreg:$0x0] =	wrdreg $0xFFFFFFFF;
	(pc) =	sbr.abs _section_cstart, $3  }
0xc0: {  	[dreg:$0x1] =	wrdreg $0xFFFFFFFF  }
0xc1: {  	_ =	task.clear_ibuf [dreg:s6], $0x2FFFF;
	_ =	strace $0x9FFFFFFF  }
0xc2: {  	(tm) =	ssettm $0x7FFFFFFF  }
0xc3: {  	_ =	shalt  }
tec
execute0_lowered:
.L_overlay_start_1:
0x0: {  	(tag) =	ssettag $0x1  }
0x1: {  	s7 =	rddreg [dreg:$0x0]  }
0x2: {  	s2 =	rddreg [dreg:$0x1]  }
0x3: {  	s0 =	rddreg [dreg:$0x2]  }
0x4: {  	s3 =	simm.s32 $0x0;
	s1 =	stileid.u32;
	s4 =	srdreg.scid  }
0x5: {  	s16 =	simm.s32 $0x1;
	s17 =	simm.s32 $0x0;
	s8 =	smul.u32 $0x14000, s1  }
0x6: {  	[smem:$0x7FF] =	sst s3;
	s9 =	sand.u32 $0x1, s4;
	s13 =	smul.u32 $0x50000, s1  }
0x7: {  	s4 =	sadd.s32 $0xC600, s7;
	s5 =	sadd.s32 $0x2600, s7;
	s31 =	smul.u32 $0x500, s1  }
0x8: {  	s6 =	sadd.s32 $0x16600, s7;
	s30 =	sshll.u32 s1, $0x6;
	s10 =	smul.u32 $0x140000, s9  }
0x9: {  	_ =	strace $0x8000004A;
	s26 =	ssub.s32 $0x2, s9;
	s28 =	smul.u32 $0x5000, s9  }
0xa: {  	s11 =	sshrl.u32 s8, $0x3;
	s12 =	sshrl.u32 s26, $0x1;
	s29 =	sshrl.u32 s13, $0x2  }
0xb: {  	s13 =	simm.s32 $0x2;
	s11 =	sadd.s32 s11, s7;
	s8 =	sadd.s32 s8, s10  }
0xc: {  	s10 =	ssub.s32 s26, s12;
	s15 =	sadd.s32 s29, s2;
	s8 =	sshrl.u32 s8, $0x3  }
0xd: {  	s10 =	smax.u32 s10, $0x1;
	s12 =	sshrl.u32 s15, $0x3;
	s15 =	simm.s32 $0x100  }
0xe: {  	s14 =	sadd.s32 s8, s7;
	s7 =	sadd.s32 $0x3D800, s11;
	s8 =	sor.u32 $0x1C02, s30  }
0xf: {  	s11 =	sadd.s32 s31, s28;
	s9 =	sadd.s32 $0x65800, s14;
	s14 =	simm.s32 $0x80  }
.LBB2_1:
0x10: {  	[spmem:s12], [sflag:s8] =	dma.local [hbm:s7], $0x2800  }
0x11: {  	s18 =	sadd.s32 $0x0, s11;
	_ =	swait.ge [sflag:s13], $0x2800  }
0x12: {  	s19 =	sand.u32 $0x70, s3;
	s18 =	sand.u32 $0xFFFFF80, s18;
	[sflag:s13] =	ssyncset.done $0x0  }
0x13: {  	s18 =	sor.u32 s19, s18;
	[sflag:s13] =	ssyncadd.s32 $0xFFFFD800  }
0x14: {  	s19 =	sadd.s32 s4, s18;
	[bflag:$0x0] =	sbarrier.arrive $0xFFFF  }
0x15: {  	[tilespmem:s3], [sflag:$0x2] =	stream.linear.gather [hbm4b:s19+s3], $0x80, $0x38;
	[tilespmem:$0x18100] =	vst v63  }
0x16: {  	_ =	swait.ge [sflag:s13], $0x80  }
0x17: {  	[sflag:s13] =	ssyncset.done $0x0  }
0x18: {  	s18 =	sadd.s32 s5, s18;
	[sflag:s13] =	ssyncadd.s32 $0xFFFFFF80  }
0x19: {  	[tilespmem:s14], [sflag:$0x2] =	stream.linear.gather [hbm4b:s18+s3], $0x80, $0x38;
	[tilespmem:$0x18100] =	vst v63  }
0x1a: {  	_ =	swait.ge [sflag:s13], $0x80  }
0x1b: {  	[sflag:s13] =	ssyncset.done $0x0  }
0x1c: {  	[sflag:s13] =	ssyncadd.s32 $0xFFFFFF80  }
0x1d: {  	[tilespmem:s15], [sflag:$0x1] =	stream.indirect.gather [hbm4b:s6+s14], $0x80, s3, s14, $0xb8;
	[tilespmem:$0x18100] =	vst v63  }
0x1e: {  	_ =	swait.ge [sflag:s16], $0x4000  }
0x1f: {  	[sflag:s16] =	ssyncset.done $0x0  }
0x20: {  	s30 =	simm.s32 $0x10;
	s31 =	sadd.s32 $0x10, s11;
	[sflag:s16] =	ssyncadd.s32 $0xFFFFC000  }
0x21: {  	[spmem:s2] =	stream.indirect.scatter.add.f32 [tilespmem:s15], [sflag:$0x2], $0x80, s14, s14, $0xb8;
	[tilespmem:$0x18100] =	vst v63  }
0x22: {  	s20 =	sand.u32 $0xFFFFF80, s31;
	s18 =	sand.u32 $0x70, s30;
	_ =	swait.ge [sflag:s13], $0x4000  }
0x23: {  	s19 =	simm.s32 $0x20;
	s18 =	sor.u32 s18, s20;
	[sflag:s13] =	ssyncset.done $0x0  }
.LBB2_2:
0x24: {  	s20 =	sadd.s32 s4, s18  }
0x25: {  	[sflag:s13] =	ssyncadd.s32 $0xFFFFC000;
	s21 =	smov.u32 s19;
	s22 =	sadd.s32 $0x10, s19  }
0x26: {  	[tilespmem:s3], [sflag:$0x2] =	stream.linear.gather [hbm4b:s20+s3], $0x80, $0x38;
	[tilespmem:$0x18100] =	vst v63  }
0x27: {  	p0 =	sne.s32 s19, $0x4F0;
	_ =	swait.ge [sflag:s13], $0x80  }
0x28: {  	[sflag:s13] =	ssyncset.done $0x0  }
0x29: {  	s18 =	sadd.s32 s5, s18;
	[sflag:s13] =	ssyncadd.s32 $0xFFFFFF80  }
0x2a: {  	[tilespmem:s14], [sflag:$0x2] =	stream.linear.gather [hbm4b:s18+s3], $0x80, $0x38;
	[tilespmem:$0x18100] =	vst v63  }
0x2b: {  	_ =	swait.ge [sflag:s13], $0x80  }
0x2c: {  	[sflag:s13] =	ssyncset.done $0x0  }
0x2d: {  	[sflag:s13] =	ssyncadd.s32 $0xFFFFFF80  }
0x2e: {  	[tilespmem:s15], [sflag:$0x1] =	stream.indirect.gather [hbm4b:s6+s14], $0x80, s3, s14, $0xb8;
	[tilespmem:$0x18100] =	vst v63  }
0x2f: {  	_ =	swait.ge [sflag:s16], $0x4000  }
.Ltmp0:
0x30: {  	[sflag:s16] =	ssyncset.done $0x0;
	(pc) =	sbr.rel @p0 .LBB2_2-.Ltmp0, $4  }
0x31: {  	s18 =	sadd.s32 s21, s11;
	[sflag:s16] =	ssyncadd.s32 $0xFFFFC000  }
0x32: {  	[spmem:s2] =	stream.indirect.scatter.add.f32 [tilespmem:s15], [sflag:$0x2], $0x80, s14, s14, $0xb8;
	[tilespmem:$0x18100] =	vst v63  }
0x33: {  	s19 =	sand.u32 $0x70, s21;
	s18 =	sand.u32 $0xFFFFF80, s18;
	_ =	swait.ge [sflag:s13], $0x4000  }
0x34: {  	s18 =	sor.u32 s19, s18;
	s19 =	smov.u32 s22;
	[sflag:s13] =	ssyncset.done $0x0  }
0x35: {  	s19 =	sadd.s32 s4, s18;
	[sflag:s13] =	ssyncadd.s32 $0xFFFFC000  }
0x36: {  	[tilespmem:s3], [sflag:$0x2] =	stream.linear.gather [hbm4b:s19+s3], $0x80, $0x38;
	[tilespmem:$0x18100] =	vst v63  }
0x37: {  	_ =	swait.ge [sflag:s13], $0x80  }
0x38: {  	[sflag:s13] =	ssyncset.done $0x0  }
0x39: {  	s31 =	sadd.s32 s5, s18;
	[sflag:s13] =	ssyncadd.s32 $0xFFFFFF80  }
0x3a: {  	[tilespmem:s14], [sflag:$0x2] =	stream.linear.gather [hbm4b:s31+s3], $0x80, $0x38;
	[tilespmem:$0x18100] =	vst v63  }
0x3b: {  	_ =	swait.ge [sflag:s13], $0x80  }
0x3c: {  	[sflag:s13] =	ssyncset.done $0x0  }
0x3d: {  	[sflag:s13] =	ssyncadd.s32 $0xFFFFFF80  }
0x3e: {  	[tilespmem:s15], [sflag:$0x1] =	stream.indirect.gather [hbm4b:s6+s14], $0x80, s3, s14, $0xb8;
	[tilespmem:$0x18100] =	vst v63  }
0x3f: {  	_ =	swait.ge [sflag:s16], $0x4000  }
0x40: {  	[sflag:s16] =	ssyncset.done $0x0  }
0x41: {  	[sflag:s16] =	ssyncadd.s32 $0xFFFFC000  }
0x42: {  	[spmem:s2] =	stream.indirect.scatter.add.f32 [tilespmem:s15], [sflag:$0x2], $0x80, s14, s14, $0xb8;
	[tilespmem:$0x18100] =	vst v63  }
0x43: {  	_ =	swait.ge [sflag:s13], $0x4000  }
0x44: {  	s17 =	sadd.s32 $0x1, s17;
	[sflag:s13] =	ssyncset.done $0x0  }
0x45: {  	p0 =	sne.s32 s17, s10;
	[sflag:s13] =	ssyncadd.s32 $0xFFFFC000  }
.Ltmp1:
0x46: {  	[bflag:$0x0] =	sbarrier.arrive $0xFFFF;
	(pc) =	sbr.rel @p0 .LBB2_1-.Ltmp1, $4  }
0x47: {  	[hbm:s9], [sflag:s8] =	dma.local [spmem:s12], $0x2800  }
0x48: {  	_ =	swait.ge [sflag:s13], $0x2800  }
0x49: {  	[sflag:s13] =	ssyncset.done $0x0  }
0x4a: {  	[sflag:s13] =	ssyncadd.s32 $0xFFFFD800  }
0x4b: {  	_ =	sfence.sel $0x180000  }
0x4c: {  	[bflag:$0x0] =	sbarrier.arrive $0xFFFF  }
0x4d: {  	p0 =	sne.s32 s1, $0x0;
	_ =	strace $0x9000004A  }
0x4e: {  	s0 =	sadd.s32 @!p0 $0x100000, s0;
	[bflag:$0x2] =	sbarrier.arrive $0xFFFF  }
0x4f: {  	[sflag:s0] =	ssyncadd.tile.s32 @!p0 $0x1;
	_ =	shalt  }
.Lfunc_end2:
_tile_overlayer_lowered:
.L_overlay_start_2:
0x50: {  	(tag) =	ssettag $0x2  }
0x51: {  	s0 =	rddreg [dreg:$0x0];
	s2 =	stileid.u32  }
0x52: {  	s1 =	rddreg [dreg:$0x1];
	p0 =	sne.s32 s2, $0x0  }
0x53: {  	s3 =	rddreg [dreg:$0x2];
	[bflag:$0x3] =	sbarrier.arrive $0xFFFF;
	s2 =	simm.s32 @!p0 $0x1C02  }
0x54: {  	[timem:s3], [sflag:s2] =	dma.local @!p0 [hbm:s0], s1  }
0x55: {  	s0 =	simm.s32 @!p0 $0x2  }
0x56: {  	_ =	swait.ge @!p0 [sflag:s0], s1  }
0x57: {  	s1 =	ssub.s32 @!p0 $0x0, s1;
	[sflag:s0] =	ssyncset.done @!p0 $0x0  }
0x58: {  	[sflag:s0] =	ssyncadd.s32 @!p0 s1  }
0x59: {  	[bflag:$0x3] =	sbarrier.arrive $0xFFFF  }
0x5a: {  	_ =	shalt  }

// kernel: kernel.14.cloned.1.call-start
scs
__scs_entry_jumppad:
0x0: {  	(pc) =	sbr.rel $0x88, $3  }
0x1: {  	(tag) =	ssettag $0x0;
	lr =	simm.s32 $0x1  }
0x2: {  	[smem:$0x3F99] =	sst lr;
	_ =	strace $0xD0000000  }
0x3: {  	_ = 	snop  }
0x4: {  	_ = 	snop  }
0x5: {  	_ = 	snop  }
0x6: {  	_ = 	snop  }
0x7: {  	_ = 	snop  }
__scs_overlays_trampoline_lowered:
0x8: {  	[smem:$0x3FA8] =	sst s0  }
0x9: {  	[smem:$0x3FA9] =	sst s1  }
0xa: {  	[smem:$0x3FAA] =	sst s2  }
0xb: {  	[smem:$0x3FAB] =	sst s3  }
0xc: {  	[smem:$0x3FAC] =	sst s4  }
0xd: {  	[smem:$0x3FAD] =	sst s5  }
0xe: {  	[smem:$0x3FAE] =	sst s6  }
0xf: {  	[smem:$0x3FAF] =	sst s7  }
0x10: {  	[smem:$0x3FB0] =	sst s8  }
0x11: {  	[smem:$0x3FB1] =	sst s9;
	s0 =	simm.s32 @!p0 $0x0  }
0x12: {  	s1 =	sld [smem:$0x3F97];
	s0 =	simm.s32 @p0 $0x1  }
0x13: {  	[smem:$0x3FB2] =	sst s0;
	s0 =	simm.s32 @!p1 $0x0  }
0x14: {  	s2 =	sld [smem:$0x3F96];
	s0 =	simm.s32 @p1 $0x1  }
0x15: {  	[smem:$0x3FB3] =	sst s0;
	s0 =	simm.s32 @!p2 $0x0  }
0x16: {  	s3 =	sld [smem:$0x3FDB];
	s0 =	simm.s32 @p2 $0x1  }
0x17: {  	s4 =	simm.s32 $0x1BF5;
	[smem:$0x3FB5] =	sst s0  }
0x18: {  	s0 =	sld [smem:$0x3F98];
	_ =	swait.ge [sflag:s4], $0x0  }
0x19: {  	s7 =	sld [smem:$0x3F99]  }
0x1a: {  	s8 =	sadd.s32 $0xFFFFE003, lr  }
0x1b: {  	s9 =	sadd.s32 $0xFFFFFEF7, lr;
	s5 =	simm.s32 $0xFFFFFFFF;
	p2 =	slt.u32 s8, $0xFFFFF086  }
0x1c: {  	p1 =	slt.u32 s9, $0xF7A;
	s5 =	simm.s32 @!p2 $0x0  }
0x1d: {  	s5 =	simm.s32 @p1 $0x1;
	p0 =	seq.s32 s7, s2  }
0x1e: {  	s7 =	smul.u32 @!p0 $0xF7A, s2;
	p2 =	seq.s32 @!p0 s5, $0x0  }
0x1f: {  	s9 =	smul.u32 $0xF7A, s1;
	s8 =	simm.s32 @!p0 $0x1BF5;
	p2 =	por !p2, p0  }
0x20: {  	[sflag:s8] =	ssyncset.s32 @!p0 $0xFFFFF086;
	s6 =	sadd.s32 @!p0 s3, s7;
	s7 =	simm.s32 @!p0 $0x108  }
0x21: {  	s3 =	sadd.s32 s3, s9;
	s6 =	sadd.s32 @!p0 $0x88, s6;
	s7 =	simm.s32 @p2 $0x1082  }
0x22: {  	[simem:s7], [sflag:s8] =	dma.local @!p0 [hbm:s6], $0xF7A  }
0x23: {  	s9 =	sor.u32 $0xD0000000, s2;
	s6 =	simm.s32 $0x108;
	_ =	swait.ge @!p0 [sflag:s8], $0x0  }
0x24: {  	s3 =	sadd.s32 $0x88, s3;
	s6 =	simm.s32 @!p1 $0x1082;
	[sflag:s4] =	ssyncset.s32 $0xFFFFF086  }
0x25: {  	[simem:s6], [sflag:s4] =	dma.local [hbm:s3], $0xF7A  }
0x26: {  	[smem:$0x3F99] =	sst s1;
	(tag) =	ssettag s2;
	_ =	strace s9  }
0x27: {  	s1 =	sld [smem:$0x3FA9]  }
0x28: {  	s2 =	sld [smem:$0x3FAA]  }
0x29: {  	s4 =	sld [smem:$0x3FAC]  }
0x2a: {  	p0 =	seq.s32 s5, $0x0;
	s5 =	sld [smem:$0x3FAD]  }
0x2b: {  	s6 =	sld [smem:$0x3FAE]  }
0x2c: {  	s7 =	sld [smem:$0x3FAF]  }
0x2d: {  	s3 =	simm.s32 $0x108;
	s8 =	sld [smem:$0x3FB0]  }
0x2e: {  	s3 =	simm.s32 @!p0 $0x1082;
	s9 =	sld [smem:$0x3FB1]  }
0x2f: {  	lr =	sadd.s32 s0, s3;
	s0 =	sld [smem:$0x3FA8]  }
0x30: {  	s3 =	sld [smem:$0x3FAB]  }
0x31: {  	[smem:$0x3FB4] =	sst s10  }
0x32: {  	s10 =	sld [smem:$0x3FB2];
	_ =	sdelay $0x3  }
0x33: {  	p0 =	seq.s32 s10, $0x1;
	s10 =	sld [smem:$0x3FB4];
	_ =	sdelay $0x3  }
0x34: {  	[smem:$0x3FB4] =	sst s10  }
0x35: {  	s10 =	sld [smem:$0x3FB3];
	_ =	sdelay $0x3  }
0x36: {  	p1 =	seq.s32 s10, $0x1;
	s10 =	sld [smem:$0x3FB4];
	_ =	sdelay $0x3  }
0x37: {  	[smem:$0x3FB4] =	sst s10  }
0x38: {  	s10 =	sld [smem:$0x3FB5]  }
0x39: {  	_ = 	snop;
	(pc) =	sbr.ind lr, $3  }
0x3a: {  	_ = 	snop  }
0x3b: {  	_ = 	snop  }
0x3c: {  	p2 =	seq.s32 s10, $0x1;
	s10 =	sld [smem:$0x3FB4]  }
0x3d: {  	_ =	shalt  }
0x3e: {  	_ =	shalt  }
0x3f: {  	_ =	shalt  }
0x40: {  	_ =	shalt  }
0x41: {  	_ =	shalt  }
0x42: {  	_ =	shalt  }
0x43: {  	_ =	shalt  }
0x44: {  	_ =	shalt  }
0x45: {  	_ =	shalt  }
0x46: {  	_ =	shalt  }
0x47: {  	_ =	shalt  }
0x48: {  	_ =	shalt  }
0x49: {  	_ =	shalt  }
0x4a: {  	_ =	shalt  }
0x4b: {  	_ =	shalt  }
0x4c: {  	_ =	shalt  }
0x4d: {  	_ =	shalt  }
0x4e: {  	_ =	shalt  }
0x4f: {  	_ =	shalt  }
0x50: {  	_ =	shalt  }
0x51: {  	_ =	shalt  }
0x52: {  	_ =	shalt  }
0x53: {  	_ =	shalt  }
0x54: {  	_ =	shalt  }
0x55: {  	_ =	shalt  }
0x56: {  	_ =	shalt  }
0x57: {  	_ =	shalt  }
0x58: {  	_ =	shalt  }
0x59: {  	_ =	shalt  }
0x5a: {  	_ =	shalt  }
0x5b: {  	_ =	shalt  }
0x5c: {  	_ =	shalt  }
0x5d: {  	_ =	shalt  }
0x5e: {  	_ =	shalt  }
0x5f: {  	_ =	shalt  }
0x60: {  	_ =	shalt  }
0x61: {  	_ =	shalt  }
0x62: {  	_ =	shalt  }
0x63: {  	_ =	shalt  }
0x64: {  	_ =	shalt  }
0x65: {  	_ =	shalt  }
0x66: {  	_ =	shalt  }
0x67: {  	_ =	shalt  }
0x68: {  	_ =	shalt  }
0x69: {  	_ =	shalt  }
0x6a: {  	_ =	shalt  }
0x6b: {  	_ =	shalt  }
0x6c: {  	_ =	shalt  }
0x6d: {  	_ =	shalt  }
0x6e: {  	_ =	shalt  }
0x6f: {  	_ =	shalt  }
0x70: {  	_ =	shalt  }
0x71: {  	_ =	shalt  }
0x72: {  	_ =	shalt  }
0x73: {  	_ =	shalt  }
0x74: {  	_ =	shalt  }
0x75: {  	_ =	shalt  }
0x76: {  	_ =	shalt  }
0x77: {  	_ =	shalt  }
0x78: {  	_ =	shalt  }
0x79: {  	_ =	shalt  }
0x7a: {  	_ =	shalt  }
0x7b: {  	_ =	shalt  }
0x7c: {  	_ =	shalt  }
0x7d: {  	_ =	shalt  }
0x7e: {  	_ =	shalt  }
0x7f: {  	_ =	shalt  }
0x80: {  	_ =	shalt  }
0x81: {  	_ =	shalt  }
0x82: {  	_ =	shalt  }
0x83: {  	_ =	shalt  }
0x84: {  	_ =	shalt  }
0x85: {  	_ =	shalt  }
0x86: {  	_ =	shalt  }
0x87: {  	_ =	shalt  }
.Lfunc_end0:
.L_simem_size_0:
called_computation.2_lowered:
.L_overlay_start_0:
0x88: {  	s2 =	sld [smem:$0x3FD9]  }
0x89: {  	s3 =	sld [smem:$0x3FFE];
	_ =	sdelay $0x1  }
0x8a: {  	s1 =	srdreg.scid  }
0x8b: {  	s0 =	sand.u32 $0x1, s1  }
0x8c: {  	s16 =	sshll.u32 s0, $0xA;
	s2 =	sadd.s32 s3, s2  }
0x8d: {  	s2 =	sadd.s32 s2, s16  }
0x8e: {  	[smem:$0x3FC0] =	sst s2  }
0x8f: {  	_ = 	snop  }
0x90: {  	(tm) =	ssettm $0x1  }
0x91: {  	s17 =	sld [smem:$0x3FFB];
	_ =	sdelay $0x3  }
0x92: {  	_ =	strace s17  }
0x93: {  	s2 =	sld [smem:$0x3FFC];
	_ =	sdelay $0x3  }
0x94: {  	_ =	strace s2  }
0x95: {  	s2 =	sld [smem:$0x3FFD];
	_ =	sdelay $0x3  }
0x96: {  	_ =	strace s2  }
0x97: {  	_ =	strace $0x8FFFFFFF  }
0x98: {  	s18 =	sld [smem:$0x3FDB];
	_ =	sdelay $0x1  }
0x99: {  	s19 =	simm.s32 $_scs_section_size  }
0x9a: {  	s4 =	simm.s32 $_size__tile_overlayer_lowered;
	s5 =	simm.s32 $_tile_overlayer_lowered  }
0x9b: {  	s22 =	simm.s32 $0x1BFF;
	s21 =	sshll.u32 s5, $0x1;
	s2 =	sadd.s32 s19, s18  }
0x9c: {  	s6 =	simm.s32 $0x0;
	s20 =	sshll.u32 s4, $0x1;
	s4 =	sadd.s32 s21, s2  }
0x9d: {  	[timem:s6], [sflag:s22] =	dma.local [hbm:s4], s20  }
0x9e: {  	_ =	swait.ge [sflag:s22], s20  }
0x9f: {  	s3 =	ssub.s32 $0x0, s20;
	[sflag:s22] =	ssyncset.done $0x0  }
0xa0: {  	[sflag:s22] =	ssyncadd.s32 s3;
	_ =	sdelay $0x1  }
0xa1: {  	s23 =	simm.s32 $0x1B8B  }
0xa2: {  	_ =	swait.ge [sflag:s23], $0x1  }
0xa3: {  	[sflag:s23] =	ssyncset.done $0x0  }
0xa4: {  	s25 =	simm.s32 $0x1B8E;
	s24 =	sld [smem:$0x3FFE];
	[sflag:s23] =	ssyncadd.s32 $0xFFFFFFFF  }
0xa5: {  	s26 =	simm.s32 $execute0_lowered;
	[smem:$0x3FD2] =	sst s25  }
0xa6: {  	s4 =	sshll.u32 s26, $0x1;
	_ =	strace $0x8000004C;
	[dreg:$0x1] =	wrdreg $0xFFFFFFFF  }
0xa7: {  	s28 =	simm.s32 $_size_execute0_lowered;
	s2 =	sadd.s32 s2, s4;
	[dreg:$0x0] =	wrdreg $0x0  }
0xa8: {  	s4 =	sshll.u32 s28, $0x1;
	[dreg:$0x2] =	wrdreg s2  }
0xa9: {  	[dreg:$0x3] =	wrdreg s4  }
0xaa: {  	[dreg:$0x4] =	wrdreg $0xC0  }
0xab: {  	_ =	task [dreg:s6], $0x5FFFF  }
0xac: {  	[dreg:$0x1] =	wrdreg $0xFFFFFFFF  }
0xad: {  	[dreg:$0x0] =	wrdreg $0x60  }
0xae: {  	[dreg:$0x2] =	wrdreg s24  }
0xaf: {  	[dreg:$0x3] =	wrdreg $0x41000  }
0xb0: {  	[dreg:$0x4] =	wrdreg $0x9  }
0xb1: {  	_ =	task.clear_ibuf [dreg:s6], $0x5FFFF;
	_ =	strace $0x9000004C  }
0xb2: {  	s29 =	simm.s32 $0x9;
	_ =	strace $0x8000004E  }
0xb3: {  	_ =	swait.ge [sflag:s29], $0x1  }
0xb4: {  	[sflag:s29] =	ssyncadd.s32 $0xFFFFFFFF  }
0xb5: {  	_ =	strace $0x9000004E  }
0xb6: {  	_ =	sfence  }
0xb7: {  	s30 =	sld [smem:$0x0];
	_ =	sdelay $0x2  }
0xb8: {  	s31 =	sshll.u32 s1, $0xD;
	s1 =	sshrl.u32 s1, $0x2  }
0xb9: {  	s3 =	sand.u32 $0x4000, s31;
	s1 =	sadd.s32 s1, s30  }
0xba: {  	s0 =	sor.u32 s3, s0;
	s1 =	sshll.u32 s1, $0x11  }
0xbb: {  	s0 =	sor.u32 s1, s0  }
0xbc: {  	s0 =	sadd.s32 $0x8F2B, s0  }
0xbd: {  	[sflag:s0] =	ssyncadd.remote.s32 $0x1  }
0xbe: {  	_ =	sfence.sel $0xFFFF  }
0xbf: {  	[dreg:$0x0] =	wrdreg $0xFFFFFFFF;
	(pc) =	sbr.abs _section_cstart, $3  }
0xc0: {  	[dreg:$0x1] =	wrdreg $0xFFFFFFFF  }
0xc1: {  	_ =	task.clear_ibuf [dreg:s6], $0x2FFFF;
	_ =	strace $0x9FFFFFFF  }
0xc2: {  	(tm) =	ssettm $0x7FFFFFFF  }
0xc3: {  	_ =	shalt  }
tec
execute0_lowered:
.L_overlay_start_1:
0x0: {  	(tag) =	ssettag $0x1  }
0x1: {  	s7 =	rddreg [dreg:$0x0]  }
0x2: {  	s2 =	rddreg [dreg:$0x1]  }
0x3: {  	s0 =	rddreg [dreg:$0x2]  }
0x4: {  	s3 =	simm.s32 $0x0;
	s1 =	stileid.u32;
	s4 =	srdreg.scid  }
0x5: {  	s16 =	simm.s32 $0x1;
	s17 =	simm.s32 $0x0;
	s8 =	smul.u32 $0x14000, s1  }
0x6: {  	[smem:$0x7FF] =	sst s3;
	s9 =	sand.u32 $0x1, s4;
	s13 =	smul.u32 $0x50000, s1  }
0x7: {  	s4 =	sadd.s32 $0xC600, s7;
	s5 =	sadd.s32 $0x2600, s7;
	s31 =	smul.u32 $0x500, s1  }
0x8: {  	s6 =	sadd.s32 $0x16600, s7;
	s30 =	sshll.u32 s1, $0x6;
	s10 =	smul.u32 $0x140000, s9  }
0x9: {  	_ =	strace $0x8000004D;
	s26 =	ssub.s32 $0x2, s9;
	s28 =	smul.u32 $0x5000, s9  }
0xa: {  	s11 =	sshrl.u32 s8, $0x3;
	s12 =	sshrl.u32 s26, $0x1;
	s29 =	sshrl.u32 s13, $0x2  }
0xb: {  	s13 =	simm.s32 $0x2;
	s11 =	sadd.s32 s11, s7;
	s8 =	sadd.s32 s8, s10  }
0xc: {  	s10 =	ssub.s32 s26, s12;
	s15 =	sadd.s32 s29, s2;
	s8 =	sshrl.u32 s8, $0x3  }
0xd: {  	s10 =	smax.u32 s10, $0x1;
	s12 =	sshrl.u32 s15, $0x3;
	s15 =	simm.s32 $0x100  }
0xe: {  	s14 =	sadd.s32 s8, s7;
	s7 =	sadd.s32 $0x3D800, s11;
	s8 =	sor.u32 $0x1C02, s30  }
0xf: {  	s11 =	sadd.s32 s31, s28;
	s9 =	sadd.s32 $0x65800, s14;
	s14 =	simm.s32 $0x80  }
.LBB2_1:
0x10: {  	[spmem:s12], [sflag:s8] =	dma.local [hbm:s7], $0x2800  }
0x11: {  	s18 =	sadd.s32 $0x0, s11;
	_ =	swait.ge [sflag:s13], $0x2800  }
0x12: {  	s19 =	sand.u32 $0x70, s3;
	s18 =	sand.u32 $0xFFFFF80, s18;
	[sflag:s13] =	ssyncset.done $0x0  }
0x13: {  	s18 =	sor.u32 s19, s18;
	[sflag:s13] =	ssyncadd.s32 $0xFFFFD800  }
0x14: {  	s19 =	sadd.s32 s4, s18;
	[bflag:$0x0] =	sbarrier.arrive $0xFFFF  }
0x15: {  	[tilespmem:s3], [sflag:$0x2] =	stream.linear.gather [hbm4b:s19+s3], $0x80, $0x38;
	[tilespmem:$0x18100] =	vst v63  }
0x16: {  	_ =	swait.ge [sflag:s13], $0x80  }
0x17: {  	[sflag:s13] =	ssyncset.done $0x0  }
0x18: {  	s18 =	sadd.s32 s5, s18;
	[sflag:s13] =	ssyncadd.s32 $0xFFFFFF80  }
0x19: {  	[tilespmem:s14], [sflag:$0x2] =	stream.linear.gather [hbm4b:s18+s3], $0x80, $0x38;
	[tilespmem:$0x18100] =	vst v63  }
0x1a: {  	_ =	swait.ge [sflag:s13], $0x80  }
0x1b: {  	[sflag:s13] =	ssyncset.done $0x0  }
0x1c: {  	[sflag:s13] =	ssyncadd.s32 $0xFFFFFF80  }
0x1d: {  	[tilespmem:s15], [sflag:$0x1] =	stream.indirect.gather [hbm4b:s6+s14], $0x80, s3, s14, $0xb8;
	[tilespmem:$0x18100] =	vst v63  }
0x1e: {  	_ =	swait.ge [sflag:s16], $0x4000  }
0x1f: {  	[sflag:s16] =	ssyncset.done $0x0  }
0x20: {  	s30 =	simm.s32 $0x10;
	s31 =	sadd.s32 $0x10, s11;
	[sflag:s16] =	ssyncadd.s32 $0xFFFFC000  }
0x21: {  	[spmem:s2] =	stream.indirect.scatter.add.f32 [tilespmem:s15], [sflag:$0x2], $0x80, s14, s14, $0xb8;
	[tilespmem:$0x18100] =	vst v63  }
0x22: {  	s20 =	sand.u32 $0xFFFFF80, s31;
	s18 =	sand.u32 $0x70, s30;
	_ =	swait.ge [sflag:s13], $0x4000  }
0x23: {  	s19 =	simm.s32 $0x20;
	s18 =	sor.u32 s18, s20;
	[sflag:s13] =	ssyncset.done $0x0  }
.LBB2_2:
0x24: {  	s20 =	sadd.s32 s4, s18  }
0x25: {  	[sflag:s13] =	ssyncadd.s32 $0xFFFFC000;
	s21 =	smov.u32 s19;
	s22 =	sadd.s32 $0x10, s19  }
0x26: {  	[tilespmem:s3], [sflag:$0x2] =	stream.linear.gather [hbm4b:s20+s3], $0x80, $0x38;
	[tilespmem:$0x18100] =	vst v63  }
0x27: {  	p0 =	sne.s32 s19, $0x4F0;
	_ =	swait.ge [sflag:s13], $0x80  }
0x28: {  	[sflag:s13] =	ssyncset.done $0x0  }
0x29: {  	s18 =	sadd.s32 s5, s18;
	[sflag:s13] =	ssyncadd.s32 $0xFFFFFF80  }
0x2a: {  	[tilespmem:s14], [sflag:$0x2] =	stream.linear.gather [hbm4b:s18+s3], $0x80, $0x38;
	[tilespmem:$0x18100] =	vst v63  }
0x2b: {  	_ =	swait.ge [sflag:s13], $0x80  }
0x2c: {  	[sflag:s13] =	ssyncset.done $0x0  }
0x2d: {  	[sflag:s13] =	ssyncadd.s32 $0xFFFFFF80  }
0x2e: {  	[tilespmem:s15], [sflag:$0x1] =	stream.indirect.gather [hbm4b:s6+s14], $0x80, s3, s14, $0xb8;
	[tilespmem:$0x18100] =	vst v63  }
0x2f: {  	_ =	swait.ge [sflag:s16], $0x4000  }
.Ltmp0:
0x30: {  	[sflag:s16] =	ssyncset.done $0x0;
	(pc) =	sbr.rel @p0 .LBB2_2-.Ltmp0, $4  }
0x31: {  	s18 =	sadd.s32 s21, s11;
	[sflag:s16] =	ssyncadd.s32 $0xFFFFC000  }
0x32: {  	[spmem:s2] =	stream.indirect.scatter.add.f32 [tilespmem:s15], [sflag:$0x2], $0x80, s14, s14, $0xb8;
	[tilespmem:$0x18100] =	vst v63  }
0x33: {  	s19 =	sand.u32 $0x70, s21;
	s18 =	sand.u32 $0xFFFFF80, s18;
	_ =	swait.ge [sflag:s13], $0x4000  }
0x34: {  	s18 =	sor.u32 s19, s18;
	s19 =	smov.u32 s22;
	[sflag:s13] =	ssyncset.done $0x0  }
0x35: {  	s19 =	sadd.s32 s4, s18;
	[sflag:s13] =	ssyncadd.s32 $0xFFFFC000  }
0x36: {  	[tilespmem:s3], [sflag:$0x2] =	stream.linear.gather [hbm4b:s19+s3], $0x80, $0x38;
	[tilespmem:$0x18100] =	vst v63  }
0x37: {  	_ =	swait.ge [sflag:s13], $0x80  }
0x38: {  	[sflag:s13] =	ssyncset.done $0x0  }
0x39: {  	s31 =	sadd.s32 s5, s18;
	[sflag:s13] =	ssyncadd.s32 $0xFFFFFF80  }
0x3a: {  	[tilespmem:s14], [sflag:$0x2] =	stream.linear.gather [hbm4b:s31+s3], $0x80, $0x38;
	[tilespmem:$0x18100] =	vst v63  }
0x3b: {  	_ =	swait.ge [sflag:s13], $0x80  }
0x3c: {  	[sflag:s13] =	ssyncset.done $0x0  }
0x3d: {  	[sflag:s13] =	ssyncadd.s32 $0xFFFFFF80  }
0x3e: {  	[tilespmem:s15], [sflag:$0x1] =	stream.indirect.gather [hbm4b:s6+s14], $0x80, s3, s14, $0xb8;
	[tilespmem:$0x18100] =	vst v63  }
0x3f: {  	_ =	swait.ge [sflag:s16], $0x4000  }
0x40: {  	[sflag:s16] =	ssyncset.done $0x0  }
0x41: {  	[sflag:s16] =	ssyncadd.s32 $0xFFFFC000  }
0x42: {  	[spmem:s2] =	stream.indirect.scatter.add.f32 [tilespmem:s15], [sflag:$0x2], $0x80, s14, s14, $0xb8;
	[tilespmem:$0x18100] =	vst v63  }
0x43: {  	_ =	swait.ge [sflag:s13], $0x4000  }
0x44: {  	s17 =	sadd.s32 $0x1, s17;
	[sflag:s13] =	ssyncset.done $0x0  }
0x45: {  	p0 =	sne.s32 s17, s10;
	[sflag:s13] =	ssyncadd.s32 $0xFFFFC000  }
.Ltmp1:
0x46: {  	[bflag:$0x0] =	sbarrier.arrive $0xFFFF;
	(pc) =	sbr.rel @p0 .LBB2_1-.Ltmp1, $4  }
0x47: {  	[hbm:s9], [sflag:s8] =	dma.local [spmem:s12], $0x2800  }
0x48: {  	_ =	swait.ge [sflag:s13], $0x2800  }
0x49: {  	[sflag:s13] =	ssyncset.done $0x0  }
0x4a: {  	[sflag:s13] =	ssyncadd.s32 $0xFFFFD800  }
0x4b: {  	_ =	sfence.sel $0x180000  }
0x4c: {  	[bflag:$0x0] =	sbarrier.arrive $0xFFFF  }
0x4d: {  	p0 =	sne.s32 s1, $0x0;
	_ =	strace $0x9000004D  }
0x4e: {  	s0 =	sadd.s32 @!p0 $0x100000, s0;
	[bflag:$0x2] =	sbarrier.arrive $0xFFFF  }
0x4f: {  	[sflag:s0] =	ssyncadd.tile.s32 @!p0 $0x1;
	_ =	shalt  }
.Lfunc_end2:
_tile_overlayer_lowered:
.L_overlay_start_2:
0x50: {  	(tag) =	ssettag $0x2  }
0x51: {  	s0 =	rddreg [dreg:$0x0];
	s2 =	stileid.u32  }
0x52: {  	s1 =	rddreg [dreg:$0x1];
	p0 =	sne.s32 s2, $0x0  }
0x53: {  	s3 =	rddreg [dreg:$0x2];
	[bflag:$0x3] =	sbarrier.arrive $0xFFFF;
	s2 =	simm.s32 @!p0 $0x1C02  }
0x54: {  	[timem:s3], [sflag:s2] =	dma.local @!p0 [hbm:s0], s1  }
0x55: {  	s0 =	simm.s32 @!p0 $0x2  }
0x56: {  	_ =	swait.ge @!p0 [sflag:s0], s1  }
0x57: {  	s1 =	ssub.s32 @!p0 $0x0, s1;
	[sflag:s0] =	ssyncset.done @!p0 $0x0  }
0x58: {  	[sflag:s0] =	ssyncadd.s32 @!p0 s1  }
0x59: {  	[bflag:$0x3] =	sbarrier.arrive $0xFFFF  }
0x5a: {  	_ =	shalt  }

// kernel: kernel.8.cloned.1.call-start
scs
__scs_entry_jumppad:
0x0: {  	(pc) =	sbr.rel $0x88, $3  }
0x1: {  	(tag) =	ssettag $0x0;
	lr =	simm.s32 $0x1  }
0x2: {  	[smem:$0x3F99] =	sst lr;
	_ =	strace $0xD0000000  }
0x3: {  	_ = 	snop  }
0x4: {  	_ = 	snop  }
0x5: {  	_ = 	snop  }
0x6: {  	_ = 	snop  }
0x7: {  	_ = 	snop  }
__scs_overlays_trampoline_lowered:
0x8: {  	[smem:$0x3FA8] =	sst s0  }
0x9: {  	[smem:$0x3FA9] =	sst s1  }
0xa: {  	[smem:$0x3FAA] =	sst s2  }
0xb: {  	[smem:$0x3FAB] =	sst s3  }
0xc: {  	[smem:$0x3FAC] =	sst s4  }
0xd: {  	[smem:$0x3FAD] =	sst s5  }
0xe: {  	[smem:$0x3FAE] =	sst s6  }
0xf: {  	[smem:$0x3FAF] =	sst s7  }
0x10: {  	[smem:$0x3FB0] =	sst s8  }
0x11: {  	[smem:$0x3FB1] =	sst s9;
	s0 =	simm.s32 @!p0 $0x0  }
0x12: {  	s1 =	sld [smem:$0x3F97];
	s0 =	simm.s32 @p0 $0x1  }
0x13: {  	[smem:$0x3FB2] =	sst s0;
	s0 =	simm.s32 @!p1 $0x0  }
0x14: {  	s2 =	sld [smem:$0x3F96];
	s0 =	simm.s32 @p1 $0x1  }
0x15: {  	[smem:$0x3FB3] =	sst s0;
	s0 =	simm.s32 @!p2 $0x0  }
0x16: {  	s3 =	sld [smem:$0x3FDB];
	s0 =	simm.s32 @p2 $0x1  }
0x17: {  	s4 =	simm.s32 $0x1BF5;
	[smem:$0x3FB5] =	sst s0  }
0x18: {  	s0 =	sld [smem:$0x3F98];
	_ =	swait.ge [sflag:s4], $0x0  }
0x19: {  	s7 =	sld [smem:$0x3F99]  }
0x1a: {  	s8 =	sadd.s32 $0xFFFFE003, lr  }
0x1b: {  	s9 =	sadd.s32 $0xFFFFFEF7, lr;
	s5 =	simm.s32 $0xFFFFFFFF;
	p2 =	slt.u32 s8, $0xFFFFF086  }
0x1c: {  	p1 =	slt.u32 s9, $0xF7A;
	s5 =	simm.s32 @!p2 $0x0  }
0x1d: {  	s5 =	simm.s32 @p1 $0x1;
	p0 =	seq.s32 s7, s2  }
0x1e: {  	s7 =	smul.u32 @!p0 $0xF7A, s2;
	p2 =	seq.s32 @!p0 s5, $0x0  }
0x1f: {  	s9 =	smul.u32 $0xF7A, s1;
	s8 =	simm.s32 @!p0 $0x1BF5;
	p2 =	por !p2, p0  }
0x20: {  	[sflag:s8] =	ssyncset.s32 @!p0 $0xFFFFF086;
	s6 =	sadd.s32 @!p0 s3, s7;
	s7 =	simm.s32 @!p0 $0x108  }
0x21: {  	s3 =	sadd.s32 s3, s9;
	s6 =	sadd.s32 @!p0 $0x88, s6;
	s7 =	simm.s32 @p2 $0x1082  }
0x22: {  	[simem:s7], [sflag:s8] =	dma.local @!p0 [hbm:s6], $0xF7A  }
0x23: {  	s9 =	sor.u32 $0xD0000000, s2;
	s6 =	simm.s32 $0x108;
	_ =	swait.ge @!p0 [sflag:s8], $0x0  }
0x24: {  	s3 =	sadd.s32 $0x88, s3;
	s6 =	simm.s32 @!p1 $0x1082;
	[sflag:s4] =	ssyncset.s32 $0xFFFFF086  }
0x25: {  	[simem:s6], [sflag:s4] =	dma.local [hbm:s3], $0xF7A  }
0x26: {  	[smem:$0x3F99] =	sst s1;
	(tag) =	ssettag s2;
	_ =	strace s9  }
0x27: {  	s1 =	sld [smem:$0x3FA9]  }
0x28: {  	s2 =	sld [smem:$0x3FAA]  }
0x29: {  	s4 =	sld [smem:$0x3FAC]  }
0x2a: {  	p0 =	seq.s32 s5, $0x0;
	s5 =	sld [smem:$0x3FAD]  }
0x2b: {  	s6 =	sld [smem:$0x3FAE]  }
0x2c: {  	s7 =	sld [smem:$0x3FAF]  }
0x2d: {  	s3 =	simm.s32 $0x108;
	s8 =	sld [smem:$0x3FB0]  }
0x2e: {  	s3 =	simm.s32 @!p0 $0x1082;
	s9 =	sld [smem:$0x3FB1]  }
0x2f: {  	lr =	sadd.s32 s0, s3;
	s0 =	sld [smem:$0x3FA8]  }
0x30: {  	s3 =	sld [smem:$0x3FAB]  }
0x31: {  	[smem:$0x3FB4] =	sst s10  }
0x32: {  	s10 =	sld [smem:$0x3FB2];
	_ =	sdelay $0x3  }
0x33: {  	p0 =	seq.s32 s10, $0x1;
	s10 =	sld [smem:$0x3FB4];
	_ =	sdelay $0x3  }
0x34: {  	[smem:$0x3FB4] =	sst s10  }
0x35: {  	s10 =	sld [smem:$0x3FB3];
	_ =	sdelay $0x3  }
0x36: {  	p1 =	seq.s32 s10, $0x1;
	s10 =	sld [smem:$0x3FB4];
	_ =	sdelay $0x3  }
0x37: {  	[smem:$0x3FB4] =	sst s10  }
0x38: {  	s10 =	sld [smem:$0x3FB5]  }
0x39: {  	_ = 	snop;
	(pc) =	sbr.ind lr, $3  }
0x3a: {  	_ = 	snop  }
0x3b: {  	_ = 	snop  }
0x3c: {  	p2 =	seq.s32 s10, $0x1;
	s10 =	sld [smem:$0x3FB4]  }
0x3d: {  	_ =	shalt  }
0x3e: {  	_ =	shalt  }
0x3f: {  	_ =	shalt  }
0x40: {  	_ =	shalt  }
0x41: {  	_ =	shalt  }
0x42: {  	_ =	shalt  }
0x43: {  	_ =	shalt  }
0x44: {  	_ =	shalt  }
0x45: {  	_ =	shalt  }
0x46: {  	_ =	shalt  }
0x47: {  	_ =	shalt  }
0x48: {  	_ =	shalt  }
0x49: {  	_ =	shalt  }
0x4a: {  	_ =	shalt  }
0x4b: {  	_ =	shalt  }
0x4c: {  	_ =	shalt  }
0x4d: {  	_ =	shalt  }
0x4e: {  	_ =	shalt  }
0x4f: {  	_ =	shalt  }
0x50: {  	_ =	shalt  }
0x51: {  	_ =	shalt  }
0x52: {  	_ =	shalt  }
0x53: {  	_ =	shalt  }
0x54: {  	_ =	shalt  }
0x55: {  	_ =	shalt  }
0x56: {  	_ =	shalt  }
0x57: {  	_ =	shalt  }
0x58: {  	_ =	shalt  }
0x59: {  	_ =	shalt  }
0x5a: {  	_ =	shalt  }
0x5b: {  	_ =	shalt  }
0x5c: {  	_ =	shalt  }
0x5d: {  	_ =	shalt  }
0x5e: {  	_ =	shalt  }
0x5f: {  	_ =	shalt  }
0x60: {  	_ =	shalt  }
0x61: {  	_ =	shalt  }
0x62: {  	_ =	shalt  }
0x63: {  	_ =	shalt  }
0x64: {  	_ =	shalt  }
0x65: {  	_ =	shalt  }
0x66: {  	_ =	shalt  }
0x67: {  	_ =	shalt  }
0x68: {  	_ =	shalt  }
0x69: {  	_ =	shalt  }
0x6a: {  	_ =	shalt  }
0x6b: {  	_ =	shalt  }
0x6c: {  	_ =	shalt  }
0x6d: {  	_ =	shalt  }
0x6e: {  	_ =	shalt  }
0x6f: {  	_ =	shalt  }
0x70: {  	_ =	shalt  }
0x71: {  	_ =	shalt  }
0x72: {  	_ =	shalt  }
0x73: {  	_ =	shalt  }
0x74: {  	_ =	shalt  }
0x75: {  	_ =	shalt  }
0x76: {  	_ =	shalt  }
0x77: {  	_ =	shalt  }
0x78: {  	_ =	shalt  }
0x79: {  	_ =	shalt  }
0x7a: {  	_ =	shalt  }
0x7b: {  	_ =	shalt  }
0x7c: {  	_ =	shalt  }
0x7d: {  	_ =	shalt  }
0x7e: {  	_ =	shalt  }
0x7f: {  	_ =	shalt  }
0x80: {  	_ =	shalt  }
0x81: {  	_ =	shalt  }
0x82: {  	_ =	shalt  }
0x83: {  	_ =	shalt  }
0x84: {  	_ =	shalt  }
0x85: {  	_ =	shalt  }
0x86: {  	_ =	shalt  }
0x87: {  	_ =	shalt  }
.Lfunc_end0:
.L_simem_size_0:
called_computation_lowered:
.L_overlay_start_0:
0x88: {  	s2 =	sld [smem:$0x3FD9]  }
0x89: {  	s3 =	sld [smem:$0x3FFE];
	_ =	sdelay $0x1  }
0x8a: {  	s1 =	srdreg.scid  }
0x8b: {  	s0 =	sand.u32 $0x1, s1  }
0x8c: {  	s17 =	sshll.u32 s0, $0xA;
	s2 =	sadd.s32 s3, s2  }
0x8d: {  	s2 =	sadd.s32 s2, s17  }
0x8e: {  	[smem:$0x3FC0] =	sst s2  }
0x8f: {  	_ = 	snop  }
0x90: {  	s2 =	sld [smem:$0x3FD0];
	(tm) =	ssettm $0x1  }
0x91: {  	s18 =	sld [smem:$0x3FFB];
	_ =	sdelay $0x3  }
0x92: {  	_ =	strace s18  }
0x93: {  	s3 =	sld [smem:$0x3FFC];
	_ =	sdelay $0x3  }
0x94: {  	_ =	strace s3  }
0x95: {  	s3 =	sld [smem:$0x3FFD];
	_ =	sdelay $0x3  }
0x96: {  	_ =	strace s3  }
0x97: {  	_ =	strace $0x8FFFFFFF  }
0x98: {  	s19 =	sld [smem:$0x3FDB];
	_ =	sdelay $0x1  }
0x99: {  	s4 =	simm.s32 $_scs_section_size  }
0x9a: {  	s5 =	simm.s32 $_size__tile_overlayer_lowered;
	s6 =	simm.s32 $_tile_overlayer_lowered  }
0x9b: {  	s22 =	simm.s32 $0x1BFF;
	s21 =	sshll.u32 s6, $0x1;
	s3 =	sadd.s32 s4, s19  }
0x9c: {  	s7 =	simm.s32 $0x0;
	s20 =	sshll.u32 s5, $0x1;
	s5 =	sadd.s32 s21, s3  }
0x9d: {  	[timem:s7], [sflag:s22] =	dma.local [hbm:s5], s20  }
0x9e: {  	_ =	swait.ge [sflag:s22], s20  }
0x9f: {  	s4 =	ssub.s32 $0x0, s20;
	[sflag:s22] =	ssyncset.done $0x0  }
0xa0: {  	[sflag:s22] =	ssyncadd.s32 s4;
	_ =	sdelay $0x1  }
0xa1: {  	s23 =	simm.s32 $0x1B8B  }
0xa2: {  	_ =	swait.ge [sflag:s23], $0x1  }
0xa3: {  	[sflag:s23] =	ssyncset.done $0x0  }
0xa4: {  	s25 =	simm.s32 $0x1B8E;
	s24 =	sld [smem:$0x3FFE];
	[sflag:s23] =	ssyncadd.s32 $0xFFFFFFFF  }
0xa5: {  	s26 =	simm.s32 $execute0_lowered;
	[smem:$0x3FD2] =	sst s25  }
0xa6: {  	s5 =	sshll.u32 s26, $0x1;
	_ =	strace $0x80000046;
	[dreg:$0x1] =	wrdreg $0xFFFFFFFF  }
0xa7: {  	s28 =	simm.s32 $_size_execute0_lowered;
	s3 =	sadd.s32 s3, s5;
	[dreg:$0x0] =	wrdreg $0x0  }
0xa8: {  	s5 =	sshll.u32 s28, $0x1;
	[dreg:$0x2] =	wrdreg s3  }
0xa9: {  	[dreg:$0x3] =	wrdreg s5  }
0xaa: {  	[dreg:$0x4] =	wrdreg $0xC0  }
0xab: {  	_ =	task [dreg:s7], $0x5FFFF  }
0xac: {  	[dreg:$0x1] =	wrdreg $0xFFFFFFFF  }
0xad: {  	[dreg:$0x0] =	wrdreg $0x60  }
0xae: {  	[dreg:$0x2] =	wrdreg s24  }
0xaf: {  	[dreg:$0x3] =	wrdreg s2  }
0xb0: {  	[dreg:$0x4] =	wrdreg $0x28800  }
0xb1: {  	[dreg:$0x5] =	wrdreg $0x9  }
0xb2: {  	_ =	task.clear_ibuf [dreg:s7], $0x6FFFF;
	_ =	strace $0x90000046  }
0xb3: {  	s29 =	simm.s32 $0x9;
	_ =	strace $0x80000048  }
0xb4: {  	_ =	swait.ge [sflag:s29], $0x1  }
0xb5: {  	[sflag:s29] =	ssyncadd.s32 $0xFFFFFFFF  }
0xb6: {  	_ =	strace $0x90000048  }
0xb7: {  	_ =	sfence  }
0xb8: {  	s30 =	sld [smem:$0x0];
	_ =	sdelay $0x2  }
0xb9: {  	s31 =	sshll.u32 s1, $0xD;
	s1 =	sshrl.u32 s1, $0x2  }
0xba: {  	s3 =	sand.u32 $0x4000, s31;
	s1 =	sadd.s32 s1, s30  }
0xbb: {  	s0 =	sor.u32 s3, s0;
	s1 =	sshll.u32 s1, $0x11  }
0xbc: {  	s0 =	sor.u32 s1, s0  }
0xbd: {  	s0 =	sadd.s32 $0x8F2B, s0  }
0xbe: {  	[sflag:s0] =	ssyncadd.remote.s32 $0x1  }
0xbf: {  	_ =	sfence.sel $0xFFFF  }
0xc0: {  	[dreg:$0x0] =	wrdreg $0xFFFFFFFF;
	(pc) =	sbr.abs _section_cstart, $3  }
0xc1: {  	[dreg:$0x1] =	wrdreg $0xFFFFFFFF  }
0xc2: {  	_ =	task.clear_ibuf [dreg:s7], $0x2FFFF;
	_ =	strace $0x9FFFFFFF  }
0xc3: {  	(tm) =	ssettm $0x7FFFFFFF  }
tec
execute0_lowered:
.L_overlay_start_1:
0x0: {  	(tag) =	ssettag $0x1  }
0x1: {  	s5 =	rddreg [dreg:$0x0]  }
0x2: {  	s0 =	srdreg.scid;
	s8 =	rddreg [dreg:$0x1]  }
0x3: {  	s2 =	rddreg [dreg:$0x2];
	s3 =	simm.s32 $0x0;
	s13 =	simm.s32 $0x80  }
0x4: {  	s14 =	simm.s32 $0x100;
	s15 =	simm.s32 $0x180;
	s16 =	simm.s32 $0x1  }
0x5: {  	s17 =	simm.s32 $0x2;
	s18 =	simm.s32 $0x3;
	s19 =	simm.s32 $0x4  }
0x6: {  	s20 =	simm.s32 $0x20;
	s21 =	simm.s32 $0x10;
	s22 =	simm.s32 $0x0  }
0x7: {  	s6 =	sand.u32 $0x1, s0;
	s0 =	stileid.u32;
	[smem:$0x7FF] =	sst s3  }
0x8: {  	s1 =	sshll.u32 s6, $0x4;
	s7 =	smul.u32 $0x280, s0;
	s11 =	ssub.s32 $0x2, s6  }
0x9: {  	s12 =	smul.u32 $0x500, s0;
	s6 =	sshll.u32 s6, $0x7;
	s30 =	sshll.u32 s0, $0x6  }
0xa: {  	s4 =	sor.u32 s0, s1;
	s1 =	rddreg [dreg:$0x3];
	_ =	strace $0x80000047  }
0xb: {  	s28 =	sshrl.u32 s11, $0x1;
	s4 =	smul.u32 $0x500, s4;
	s10 =	sshrl.u32 s7, $0x3  }
0xc: {  	s29 =	sadd.s32 s7, s2;
	s12 =	sor.u32 s6, s12;
	s6 =	sor.u32 $0x1C05, s30  }
0xd: {  	s31 =	sshrl.u32 s12, $0x3;
	s12 =	simm.s32 $0x2800;
	s9 =	sadd.s32 s4, s5  }
0xe: {  	s4 =	sadd.s32 $0x16600, s5;
	s5 =	sadd.s32 s10, s5;
	s10 =	ssub.s32 s11, s28  }
0xf: {  	s8 =	sadd.s32 s8, s31;
	s11 =	simm.s32 $0x5;
	s5 =	sadd.s32 $0x16800, s5  }
0x10: {  	s7 =	sadd.s32 $0x2600, s9;
	s9 =	smax.u32 s10, $0x1;
	s10 =	sshrl.u32 s29, $0x3  }
.LBB2_1:
0x11: {  	[spmem:s10], [sflag:s6] =	dma.local [hbm:s5], $0x50  }
0x12: {  	_ =	swait.ge [sflag:s11], $0x50  }
0x13: {  	[sflag:s11] =	ssyncset.done $0x0  }
0x14: {  	[sflag:s11] =	ssyncadd.s32 $0xFFFFFFB0  }
0x15: {  	[tilespmem:s12], [sflag:$0x5] =	stream.linear.gather [hbm4b:s4+s3], $0x80, $0x38;
	[tilespmem:$0x2B00] =	vst v63  }
0x16: {  	_ =	swait.ge [sflag:s11], $0x80  }
0x17: {  	[sflag:s11] =	ssyncset.done $0x0  }
0x18: {  	[sflag:s11] =	ssyncadd.s32 $0xFFFFFF80  }
0x19: {  	[tilespmem:s3], [sflag:$0x5] =	stream.linear.gather [hbm4b:s7+s3], $0x2800, $0x38;
	[tilespmem:$0x2B00] =	vst v63  }
0x1a: {  	_ =	swait.ge [sflag:s11], $0x2800  }
0x1b: {  	[sflag:s11] =	ssyncset.done $0x0  }
0x1c: {  	[sflag:s11] =	ssyncadd.s32 $0xFFFFD800  }
0x1d: {  	[bflag:$0x0] =	sbarrier.arrive $0xFFFF  }
0x1e: {  	[spmem:s2] =	stream.indirect.scatter.add.f32 [tilespmem:s12], [sflag:$0x1], $0x1, s3, s13, $0xb8;
	[tilespmem:$0x2B00] =	vst v63  }
0x1f: {  	_ = 	snop  }
0x20: {  	[spmem:s2] =	stream.indirect.scatter.add.f32 [tilespmem:s12], [sflag:$0x2], $0x1, s13, s13, $0xb8;
	[tilespmem:$0x2B00] =	vst v63  }
0x21: {  	_ = 	snop  }
0x22: {  	[spmem:s2] =	stream.indirect.scatter.add.f32 [tilespmem:s12], [sflag:$0x3], $0x1, s14, s13, $0xb8;
	[tilespmem:$0x2B00] =	vst v63  }
0x23: {  	_ = 	snop  }
0x24: {  	[spmem:s2] =	stream.indirect.scatter.add.f32 [tilespmem:s12], [sflag:$0x4], $0x1, s15, s13, $0xb8;
	[tilespmem:$0x2B00] =	vst v63  }
0x25: {  	_ =	swait.ge [sflag:s16], $0x80  }
0x26: {  	[sflag:s16] =	ssyncset.done $0x0  }
0x27: {  	s23 =	simm.s32 $0x200;
	[sflag:s16] =	ssyncadd.s32 $0xFFFFFF80  }
0x28: {  	[spmem:s2] =	stream.indirect.scatter.add.f32 [tilespmem:s12], [sflag:$0x1], $0x1, s23, s13, $0xb8;
	[tilespmem:$0x2B00] =	vst v63  }
0x29: {  	_ =	swait.ge [sflag:s17], $0x80  }
0x2a: {  	[sflag:s17] =	ssyncset.done $0x0  }
0x2b: {  	s30 =	simm.s32 $0x280;
	[sflag:s17] =	ssyncadd.s32 $0xFFFFFF80  }
0x2c: {  	[spmem:s2] =	stream.indirect.scatter.add.f32 [tilespmem:s12], [sflag:$0x2], $0x1, s30, s13, $0xb8;
	[tilespmem:$0x2B00] =	vst v63  }
0x2d: {  	_ =	swait.ge [sflag:s18], $0x80  }
0x2e: {  	[sflag:s18] =	ssyncset.done $0x0  }
0x2f: {  	s31 =	simm.s32 $0x300;
	[sflag:s18] =	ssyncadd.s32 $0xFFFFFF80  }
0x30: {  	[spmem:s2] =	stream.indirect.scatter.add.f32 [tilespmem:s12], [sflag:$0x3], $0x1, s31, s13, $0xb8;
	[tilespmem:$0x2B00] =	vst v63  }
0x31: {  	_ =	swait.ge [sflag:s19], $0x80  }
0x32: {  	[sflag:s19] =	ssyncset.done $0x0  }
0x33: {  	s24 =	simm.s32 $0x380;
	s23 =	simm.s32 $0xFFFF7000;
	[sflag:s19] =	ssyncadd.s32 $0xFFFFFF80  }
.LBB2_2:
0x34: {  	[spmem:s2] =	stream.indirect.scatter.add.f32 [tilespmem:s12], [sflag:$0x4], $0x1, s24, s13, $0xb8;
	[tilespmem:$0x2B00] =	vst v63  }
0x35: {  	s24 =	smov.u32 s23  }
0x36: {  	p0 =	sne.s32 s23, $0xFFFFF800;
	s23 =	sadd.s32 $0x800, s23;
	_ =	swait.ge [sflag:s16], $0x80  }
0x37: {  	s24 =	sshra.s32 s24, $0x2;
	[sflag:s16] =	ssyncset.done $0x0  }
0x38: {  	s25 =	sadd.s32 $0x2800, s24;
	[sflag:s16] =	ssyncadd.s32 $0xFFFFFF80  }
0x39: {  	[spmem:s2] =	stream.indirect.scatter.add.f32 [tilespmem:s12], [sflag:$0x1], $0x1, s25, s13, $0xb8;
	[tilespmem:$0x2B00] =	vst v63  }
0x3a: {  	_ =	swait.ge [sflag:s17], $0x80  }
0x3b: {  	[sflag:s17] =	ssyncset.done $0x0  }
0x3c: {  	s25 =	sadd.s32 $0x2880, s24;
	[sflag:s17] =	ssyncadd.s32 $0xFFFFFF80  }
0x3d: {  	[spmem:s2] =	stream.indirect.scatter.add.f32 [tilespmem:s12], [sflag:$0x2], $0x1, s25, s13, $0xb8;
	[tilespmem:$0x2B00] =	vst v63  }
0x3e: {  	_ =	swait.ge [sflag:s18], $0x80  }
0x3f: {  	[sflag:s18] =	ssyncset.done $0x0  }
.Ltmp0:
0x40: {  	s25 =	sadd.s32 $0x2900, s24;
	[sflag:s18] =	ssyncadd.s32 $0xFFFFFF80;
	(pc) =	sbr.rel @p0 .LBB2_2-.Ltmp0, $4  }
0x41: {  	[spmem:s2] =	stream.indirect.scatter.add.f32 [tilespmem:s12], [sflag:$0x3], $0x1, s25, s13, $0xb8;
	[tilespmem:$0x2B00] =	vst v63  }
0x42: {  	_ =	swait.ge [sflag:s19], $0x80  }
0x43: {  	[sflag:s19] =	ssyncset.done $0x0  }
0x44: {  	s24 =	sadd.s32 $0x2980, s24;
	[sflag:s19] =	ssyncadd.s32 $0xFFFFFF80  }
0x45: {  	[spmem:s2] =	stream.indirect.scatter.add.f32 [tilespmem:s12], [sflag:$0x4], $0x1, s24, s13, $0xb8;
	[tilespmem:$0x2B00] =	vst v63  }
0x46: {  	_ =	swait.ge [sflag:s16], $0x80  }
0x47: {  	[sflag:s16] =	ssyncset.done $0x0  }
0x48: {  	[sflag:s16] =	ssyncadd.s32 $0xFFFFFF80  }
0x49: {  	_ =	swait.ge [sflag:s17], $0x80  }
0x4a: {  	[sflag:s17] =	ssyncset.done $0x0  }
0x4b: {  	[sflag:s17] =	ssyncadd.s32 $0xFFFFFF80  }
0x4c: {  	_ =	swait.ge [sflag:s18], $0x80  }
0x4d: {  	[sflag:s18] =	ssyncset.done $0x0  }
0x4e: {  	[sflag:s18] =	ssyncadd.s32 $0xFFFFFF80  }
0x4f: {  	_ =	swait.ge [sflag:s19], $0x80  }
0x50: {  	s22 =	sadd.s32 $0x1, s22;
	[sflag:s19] =	ssyncset.done $0x0  }
0x51: {  	p0 =	sne.s32 s22, s9;
	[sflag:s19] =	ssyncadd.s32 $0xFFFFFF80  }
.Ltmp1:
0x52: {  	[bflag:$0x0] =	sbarrier.arrive $0xFFFF;
	(pc) =	sbr.rel @p0 .LBB2_1-.Ltmp1, $4  }
0x53: {  	[hbm:s8@s20], [sflag:s6] =	dma.strided [spmem:s10@s21], $0x50, s16, $0x10   }
0x54: {  	_ =	swait.ge [sflag:s11], $0x50  }
0x55: {  	[sflag:s11] =	ssyncset.done $0x0  }
0x56: {  	[sflag:s11] =	ssyncadd.s32 $0xFFFFFFB0  }
0x57: {  	_ =	sfence.sel $0x180000  }
0x58: {  	[bflag:$0x0] =	sbarrier.arrive $0xFFFF  }
0x59: {  	p0 =	sne.s32 s0, $0x0;
	_ =	strace $0x90000047  }
0x5a: {  	s0 =	sadd.s32 @!p0 $0x100000, s1;
	[bflag:$0x2] =	sbarrier.arrive $0xFFFF  }
0x5b: {  	[sflag:s0] =	ssyncadd.tile.s32 @!p0 $0x1;
	_ =	shalt  }
.Lfunc_end2:
_tile_overlayer_lowered:
.L_overlay_start_2:
0x5c: {  	(tag) =	ssettag $0x2  }
0x5d: {  	s0 =	rddreg [dreg:$0x0];
	s2 =	stileid.u32  }
0x5e: {  	s1 =	rddreg [dreg:$0x1];
	p0 =	sne.s32 s2, $0x0  }
0x5f: {  	s3 =	rddreg [dreg:$0x2];
	[bflag:$0x3] =	sbarrier.arrive $0xFFFF;
	s2 =	simm.s32 @!p0 $0x1C05  }
0x60: {  	[timem:s3], [sflag:s2] =	dma.local @!p0 [hbm:s0], s1  }
0x61: {  	s0 =	simm.s32 @!p0 $0x5  }
0x62: {  	_ =	swait.ge @!p0 [sflag:s0], s1  }
0x63: {  	s1 =	ssub.s32 @!p0 $0x0, s1;
	[sflag:s0] =	ssyncset.done @!p0 $0x0  }
0x64: {  	[sflag:s0] =	ssyncadd.s32 @!p0 s1  }
0x65: {  	[bflag:$0x3] =	sbarrier.arrive $0xFFFF  }
0x66: {  	_ =	shalt  }

</sc_bundles>
